<compile_context>
chip_gen: v7x
topology: tpu7x:2x2x1
jax: 0.10.2.dev20260603
libtpu: 0.0.44.dev20260713+nightly
codegen_flags: <defaults>
</compile_context>

<pallas_src>
import jax
import jax.numpy as jnp
from jax import lax
from jax.experimental import pallas as pl
from jax.experimental.pallas import tpu as pltpu
from jax.experimental.pallas import tpu_sc as plsc

N = 10000
D = 256
H = 512
HALF = 128
NC = 2
NS = 16
ROWS_PER_TILE = 640
NPAD = NS * ROWS_PER_TILE
K = 80
CH = 128
EPT = K * CH
EPAD = EPT * NS
R = 1000


def _sc_scatter(table, src_idx, dst_idx, zeros2d, zeros1d, with_deg):
    mesh = plsc.VectorSubcoreMesh(core_axis_name="c", subcore_axis_name="s",
                                  num_cores=NC, num_subcores=NS)
    out_type = (jax.ShapeDtypeStruct((NC, NPAD, HALF), jnp.float32),
                jax.ShapeDtypeStruct((NPAD,), jnp.float32))
    NB = 4
    LA = 4
    W = 8
    G = CH // W

    def body(table_h, src_h, dst_h, z2_h, z1_h, acc_out, deg_out,
             src_w, dst_w, rows_v, ones_v, acc, dacc, gsems, ssems, dsem, wsem):
        c = lax.axis_index("c")
        s = lax.axis_index("s")
        row0 = s * ROWS_PER_TILE
        pltpu.sync_copy(z2_h, acc.at[pl.ds(row0, ROWS_PER_TILE)])
        if with_deg:
            pltpu.sync_copy(z1_h, dacc.at[pl.ds(row0, ROWS_PER_TILE)])
            for i in range(K // 16):
                ones_v[pl.ds(i * 16, 16)] = jnp.full((16,), 1.0, jnp.float32)
        pltpu.sync_copy(src_h.at[c, s, pl.ds(0, W)], src_w.at[0])
        pltpu.sync_copy(dst_h.at[s, pl.ds(0, W)], dst_w.at[0])
        plsc.subcore_barrier()
        for b in range(LA):
            pltpu.async_copy(table_h.at[src_w.at[0, b]], rows_v.at[b], gsems[b])

        def group(g, carry):
            sel = lax.rem(g, 2)
            nxt = 1 - sel

            for w in range(W):
                b = w % NB
                b2 = (w + LA) % NB
                if w == LA:
                    @pl.when(g + 1 < G)
                    def _():
                        pltpu.async_copy(src_h.at[c, s, pl.ds((g + 1) * W, W)],
                                         src_w.at[nxt], wsem)
                        pltpu.async_copy(dst_h.at[s, pl.ds((g + 1) * W, W)],
                                         dst_w.at[nxt], wsem)

                if w + LA < W:
                    pltpu.async_copy(table_h.at[src_w.at[sel, w + LA]],
                                     rows_v.at[b2], gsems[b2])
                else:
                    @pl.when(g + 1 < G)
                    def _(w=w, b2=b2, first=(w + LA == W)):
                        if first:
                            pltpu.make_async_copy(
                                src_h.at[c, s, pl.ds((g + 1) * W, W)],
                                src_w.at[nxt], wsem).wait()
                            pltpu.make_async_copy(
                                dst_h.at[s, pl.ds((g + 1) * W, W)],
                                dst_w.at[nxt], wsem).wait()
                        pltpu.async_copy(table_h.at[src_w.at[nxt, w + LA - W]],
                                         rows_v.at[b2], gsems[b2])
                pltpu.make_async_copy(table_h.at[src_w.at[sel, w]],
                                      rows_v.at[b], gsems[b]).wait()
            return carry

        lax.fori_loop(0, G, group, 0)
        plsc.subcore_barrier()
        pltpu.sync_copy(acc.at[pl.ds(row0, ROWS_PER_TILE)],
                        acc_out.at[c, pl.ds(row0, ROWS_PER_TILE)])
        if with_deg:
            @pl.when(jnp.logical_and(c == 0, s == 0))
            def _():
                pltpu.sync_copy(dacc, deg_out)
        else:
            @pl.when(jnp.logical_and(c == 0, s == 0))
            def _():
                pltpu.sync_copy(z1_h, deg_out.at[pl.ds(0, ROWS_PER_TILE)])

    kfn = pl.kernel(
        body, out_type=out_type, mesh=mesh,
        scratch_types=[
            pltpu.VMEM((2, W, K), jnp.int32),
            pltpu.VMEM((2, W, K), jnp.int32),
            pltpu.VMEM((NB, K, HALF), jnp.float32),
            pltpu.VMEM((K,), jnp.float32),
            pltpu.VMEM_SHARED((NPAD, HALF), jnp.float32),
            pltpu.VMEM_SHARED((NPAD,), jnp.float32),
            [pltpu.SemaphoreType.DMA] * NB,
            [pltpu.SemaphoreType.DMA] * NB,
            pltpu.SemaphoreType.DMA,
            pltpu.SemaphoreType.DMA,
        ])
    return kfn(table, src_idx, dst_idx, zeros2d, zeros1d)


def _tc_fused(x, sc1, deg2, W1, b1r, W2):
    def body(x_r, s0_r, s1_r, deg_r, W1_r, b1_r, W2_r, y_r):
        inv = 1.0 / (deg_r[...] + 1.0)
        a0 = (x_r[:, :HALF] + s0_r[0]) * inv
        a1 = (x_r[:, HALF:] + s1_r[0]) * inv
        a = jnp.concatenate([a0, a1], axis=1)
        h = jnp.dot(a, W1_r[...], preferred_element_type=jnp.float32) + b1_r[...]
        h = jnp.maximum(h, 0.0)
        y_r[...] = jnp.dot(h, W2_r[...], preferred_element_type=jnp.float32)

    return pl.pallas_call(
        body,
        grid=(N // R,),
        in_specs=[
            pl.BlockSpec((R, D), lambda i: (i, 0)),
            pl.BlockSpec((1, R, HALF), lambda i: (0, i, 0)),
            pl.BlockSpec((1, R, HALF), lambda i: (1, i, 0)),
            pl.BlockSpec((R, 1), lambda i: (i, 0)),
            pl.BlockSpec((D, H), lambda i: (0, 0)),
            pl.BlockSpec((1, H), lambda i: (0, 0)),
            pl.BlockSpec((H, D), lambda i: (0, 0)),
        ],
        out_specs=pl.BlockSpec((R, D), lambda i: (i, 0)),
        out_shape=jax.ShapeDtypeStruct((N, D), jnp.float32),
    )(x, sc1, sc1, deg2, W1, b1r, W2)


def _tc_final(sc2, yt, deg2, b2r):
    def body(s0_r, s1_r, y_r, deg_r, b2_r, o_r):
        inv = 1.0 / (deg_r[...] + 1.0)
        agg = jnp.concatenate([s0_r[0], s1_r[0]], axis=1)
        o_r[...] = (y_r[...] + agg) * inv + b2_r[...]

    return pl.pallas_call(
        body,
        grid=(N // R,),
        in_specs=[
            pl.BlockSpec((1, R, HALF), lambda i: (0, i, 0)),
            pl.BlockSpec((1, R, HALF), lambda i: (1, i, 0)),
            pl.BlockSpec((R, D), lambda i: (i, 0)),
            pl.BlockSpec((R, 1), lambda i: (i, 0)),
            pl.BlockSpec((1, D), lambda i: (0, 0)),
        ],
        out_specs=pl.BlockSpec((R, D), lambda i: (i, 0)),
        out_shape=jax.ShapeDtypeStruct((N, D), jnp.float32),
    )(sc2, sc2, yt, deg2, b2r)


def kernel(x, edge_index, W1, b1, W2, b2):
    src = edge_index[0].astype(jnp.int32)
    dst = edge_index[1].astype(jnp.int32)
    pad = EPAD - src.shape[0]
    srcp = jnp.concatenate([src, jnp.zeros((pad,), jnp.int32)]).reshape(NS, CH, K)
    dstp = jnp.concatenate([dst, jnp.full((pad,), N, jnp.int32)]).reshape(NS, CH, K)
    src2 = jnp.stack([2 * srcp, 2 * srcp + 1])
    z2 = jnp.zeros((ROWS_PER_TILE, HALF), jnp.float32)
    z1 = jnp.zeros((ROWS_PER_TILE,), jnp.float32)

    sc1, deg = _sc_scatter(x.reshape(NC * N, HALF), src2, dstp, z2, z1, True)
    deg2 = deg.reshape(NPAD, 1)
    yt = _tc_fused(x, sc1, deg2, W1, b1.reshape(1, H), W2)
    sc2, _ = _sc_scatter(yt.reshape(NC * N, HALF), src2, dstp, z2, z1, False)
    return _tc_final(sc2, yt, deg2, b2.reshape(1, D))

# --- scband reference (transcript-rebuilt; emitter-appended) ---
"""Pipeline reference for scband-sage-15745350107501 (READ-ONLY COPY).

The authoritative reference and input builder live on the scoring server;
editing this copy changes nothing except your own understanding.
"""

import jax, jax.numpy as jnp
import numpy as np

N_NODES = 10000
N_EDGES = 160000
IN_SIZE = 256
HID_SIZE = 512
OUT_SIZE = 256


def setup_inputs(seed: int = 0) -> dict:
    key = jax.random.key(seed)
    k1, k2, k3, k4, k5, k6 = jax.random.split(key, 6)
    x = jax.random.normal(k1, (N_NODES, IN_SIZE), dtype=jnp.float32)
    edge_index = jax.random.randint(k2, (2, N_EDGES), 0, N_NODES)
    # Learned parameters: dgl SAGEConv with aggregator 'gcn' has only fc_neigh (weight+bias)
    W1 = jax.random.normal(k3, (IN_SIZE, HID_SIZE), dtype=jnp.float32) * (1.0 / np.sqrt(IN_SIZE))
    b1 = jnp.zeros((HID_SIZE,), dtype=jnp.float32)
    W2 = jax.random.normal(k4, (HID_SIZE, OUT_SIZE), dtype=jnp.float32) * (1.0 / np.sqrt(HID_SIZE))
    b2 = jnp.zeros((OUT_SIZE,), dtype=jnp.float32)
    return {"x": x, "edge_index": edge_index, "W1": W1, "b1": b1, "W2": W2, "b2": b2}


def reference(x, edge_index, W1, b1, W2, b2):
    # Faithful translation of SAGE(in,hid,out) with two dgl SAGEConv layers,
    # aggregator_type='gcn'. Dropout is identity in eval mode.
    src = edge_index[0]
    dst = edge_index[1]

    def sage_conv_gcn(h, W, b):
        n = h.shape[0]
        # in-degree of each destination node
        deg = jnp.zeros((n,), dtype=h.dtype).at[dst].add(1.0)
        # sum of neighbor (src) features scattered to dst, plus self feature,
        # normalized by (in_degree + 1)  -- dgl 'gcn' aggregator
        agg = jnp.zeros((n, h.shape[1]), dtype=h.dtype).at[dst].add(h[src])
        agg = (agg + h) / (deg + 1.0)[:, None]
        return agg @ W + b

    h = sage_conv_gcn(x, W1, b1)
    h = jax.nn.relu(h)
    h = sage_conv_gcn(h, W2, b2)
    return h

if __name__ == "__main__":
    import jax
    _d = setup_inputs()
    print(jax.jit(kernel)(*tuple(_d.values())))

</pallas_src>

<mosaic_0001>
#map = affine_map<(d0, d1) -> (0, 0)>
#map1 = affine_map<(d0, d1) -> (0, 0, 0, 0)>
#map2 = affine_map<(d0, d1) -> (0, 0, 0)>
#map3 = affine_map<(d0, d1) -> (0)>
module attributes {stable_mosaic.version = 14 : i64} {
  func.func @body(%arg0: i32, %arg1: i32, %arg2: memref<20000x128xf32, #tpu.memory_space<hbm>>, %arg3: memref<2x16x128x80xi32, #tpu.memory_space<hbm>>, %arg4: memref<16x128x80xi32, #tpu.memory_space<hbm>>, %arg5: memref<640x128xf32, #tpu.memory_space<hbm>>, %arg6: memref<640xf32, #tpu.memory_space<hbm>>, %arg7: memref<2x10240x128xf32, #tpu.memory_space<hbm>>, %arg8: memref<10240xf32, #tpu.memory_space<hbm>>, %arg9: memref<2x8x80xi32, #tpu.memory_space<vmem>>, %arg10: memref<2x8x80xi32, #tpu.memory_space<vmem>>, %arg11: memref<4x80x128xf32, #tpu.memory_space<vmem>>, %arg12: memref<80xf32, #tpu.memory_space<vmem>>, %arg13: memref<10240x128xf32, #tpu.memory_space<vmem_shared>>, %arg14: memref<10240xf32, #tpu.memory_space<vmem_shared>>, %arg15: memref<!tpu.dma_semaphore, #tpu.memory_space<semaphore_mem>>, %arg16: memref<!tpu.dma_semaphore, #tpu.memory_space<semaphore_mem>>, %arg17: memref<!tpu.dma_semaphore, #tpu.memory_space<semaphore_mem>>, %arg18: memref<!tpu.dma_semaphore, #tpu.memory_space<semaphore_mem>>, %arg19: memref<!tpu.dma_semaphore, #tpu.memory_space<semaphore_mem>>, %arg20: memref<!tpu.dma_semaphore, #tpu.memory_space<semaphore_mem>>, %arg21: memref<!tpu.dma_semaphore, #tpu.memory_space<semaphore_mem>>, %arg22: memref<!tpu.dma_semaphore, #tpu.memory_space<semaphore_mem>>, %arg23: memref<!tpu.dma_semaphore, #tpu.memory_space<semaphore_mem>>, %arg24: memref<!tpu.dma_semaphore, #tpu.memory_space<semaphore_mem>>) attributes {dimension_semantics = [#tpu.dimension_semantics<core_parallel>, #tpu.dimension_semantics<subcore_parallel>], iteration_bounds = array<i64: 2, 16>, scalar_prefetch = 0 : i64, scratch_operands = 16 : i64, tpu.core_type = #tpu.core_type<sc_vector_subcore>, window_params = [{transform_indices = #map}, {transform_indices = #map1}, {transform_indices = #map2}, {transform_indices = #map}, {transform_indices = #map3}, {transform_indices = #map2}, {transform_indices = #map3}]} {
    %mul3A = arith.constant 640 : i32
    %mul3A_0 = arith.muli %arg1, %mul3A : i32
    "tpu.region"() ({
      %run_scoped3A_63 = tpu.sem_alloc : memref<!tpu.dma_semaphore, #tpu.memory_space<semaphore_mem>>
      %dma_start3A_64 = arith.constant 0 : i32
      %dma_start3A_65 = tpu.memref_slice %arg13[%mul3A_0, %dma_start3A_64] : memref<10240x128xf32, #tpu.memory_space<vmem_shared>> -> memref<640x128xf32, #tpu.memory_space<vmem_shared>>
      tpu.enqueue_dma source(%arg5 : memref<640x128xf32, #tpu.memory_space<hbm>>) target(%dma_start3A_65 : memref<640x128xf32, #tpu.memory_space<vmem_shared>>) target_semaphore(%run_scoped3A_63 : memref<!tpu.dma_semaphore, #tpu.memory_space<semaphore_mem>>)
      %dma_wait3A = arith.constant 0 : i32
      %dma_wait3A_66 = tpu.memref_slice %arg13[%mul3A_0, %dma_wait3A] : memref<10240x128xf32, #tpu.memory_space<vmem_shared>> -> memref<640x128xf32, #tpu.memory_space<vmem_shared>>
      tpu.wait_dma2 semaphore(%run_scoped3A_63 : memref<!tpu.dma_semaphore, #tpu.memory_space<semaphore_mem>>) src(%arg5 : memref<640x128xf32, #tpu.memory_space<hbm>>) dst(%dma_wait3A_66 : memref<640x128xf32, #tpu.memory_space<vmem_shared>>)
      tpu.yield
    }) : () -> ()
    %run_scoped3A = arith.constant 0 : i32
    "tpu.region"() ({
      %run_scoped3A_63 = tpu.sem_alloc : memref<!tpu.dma_semaphore, #tpu.memory_space<semaphore_mem>>
      %dma_start3A_64 = arith.constant 0 : i32
      %dma_start3A_65 = arith.constant 0 : i32
      %dma_start3A_66 = tpu.memref_slice %arg9[%run_scoped3A, %dma_start3A_64, %dma_start3A_65] : memref<2x8x80xi32, #tpu.memory_space<vmem>> -> memref<1x8x80xi32, #tpu.memory_space<vmem>>
      %dma_start3A_67 = tpu.memref_squeeze %dma_start3A_66 : memref<1x8x80xi32, #tpu.memory_space<vmem>> -> memref<8x80xi32, #tpu.memory_space<vmem>>
      %dma_start3A_68 = arith.constant 0 : i32
      %dma_start3A_69 = arith.constant 0 : i32
      %dma_start3A_70 = tpu.memref_slice %arg3[%arg0, %arg1, %dma_start3A_68, %dma_start3A_69] : memref<2x16x128x80xi32, #tpu.memory_space<hbm>> -> memref<1x1x8x80xi32, #tpu.memory_space<hbm>>
      %dma_start3A_71 = tpu.memref_squeeze %dma_start3A_70 : memref<1x1x8x80xi32, #tpu.memory_space<hbm>> -> memref<8x80xi32, #tpu.memory_space<hbm>>
      %dma_start3A_72 = arith.constant 0 : i32
      %dma_start3A_73 = arith.constant 0 : i32
      %dma_start3A_74 = tpu.memref_slice %arg9[%run_scoped3A, %dma_start3A_72, %dma_start3A_73] : memref<2x8x80xi32, #tpu.memory_space<vmem>> -> memref<1x8x80xi32, #tpu.memory_space<vmem>>
      %dma_start3A_75 = tpu.memref_squeeze %dma_start3A_74 : memref<1x8x80xi32, #tpu.memory_space<vmem>> -> memref<8x80xi32, #tpu.memory_space<vmem>>
      %dma_start3A_76 = arith.constant 0 : i32
      %dma_start3A_77 = arith.constant 0 : i32
      %dma_start3A_78 = tpu.memref_slice %arg3[%arg0, %arg1, %dma_start3A_76, %dma_start3A_77] : memref<2x16x128x80xi32, #tpu.memory_space<hbm>> -> memref<1x1x8x80xi32, #tpu.memory_space<hbm>>
      %dma_start3A_79 = tpu.memref_squeeze %dma_start3A_78 : memref<1x1x8x80xi32, #tpu.memory_space<hbm>> -> memref<8x80xi32, #tpu.memory_space<hbm>>
      tpu.enqueue_dma source(%dma_start3A_79 : memref<8x80xi32, #tpu.memory_space<hbm>>) target(%dma_start3A_75 : memref<8x80xi32, #tpu.memory_space<vmem>>) target_semaphore(%run_scoped3A_63 : memref<!tpu.dma_semaphore, #tpu.memory_space<semaphore_mem>>)
      %dma_wait3A = arith.constant 0 : i32
      %dma_wait3A_80 = arith.constant 0 : i32
      %dma_wait3A_81 = tpu.memref_slice %arg9[%run_scoped3A, %dma_wait3A, %dma_wait3A_80] : memref<2x8x80xi32, #tpu.memory_space<vmem>> -> memref<1x8x80xi32, #tpu.memory_space<vmem>>
      %dma_wait3A_82 = tpu.memref_squeeze %dma_wait3A_81 : memref<1x8x80xi32, #tpu.memory_space<vmem>> -> memref<8x80xi32, #tpu.memory_space<vmem>>
      %dma_wait3A_83 = arith.constant 0 : i32
      %dma_wait3A_84 = arith.constant 0 : i32
      %dma_wait3A_85 = tpu.memref_slice %arg3[%arg0, %arg1, %dma_wait3A_83, %dma_wait3A_84] : memref<2x16x128x80xi32, #tpu.memory_space<hbm>> -> memref<1x1x8x80xi32, #tpu.memory_space<hbm>>
      %dma_wait3A_86 = tpu.memref_squeeze %dma_wait3A_85 : memref<1x1x8x80xi32, #tpu.memory_space<hbm>> -> memref<8x80xi32, #tpu.memory_space<hbm>>
      %dma_wait3A_87 = arith.constant 0 : i32
      %dma_wait3A_88 = arith.constant 0 : i32
      %dma_wait3A_89 = tpu.memref_slice %arg9[%run_scoped3A, %dma_wait3A_87, %dma_wait3A_88] : memref<2x8x80xi32, #tpu.memory_space<vmem>> -> memref<1x8x80xi32, #tpu.memory_space<vmem>>
      %dma_wait3A_90 = tpu.memref_squeeze %dma_wait3A_89 : memref<1x8x80xi32, #tpu.memory_space<vmem>> -> memref<8x80xi32, #tpu.memory_space<vmem>>
      %dma_wait3A_91 = arith.constant 0 : i32
      %dma_wait3A_92 = arith.constant 0 : i32
      %dma_wait3A_93 = tpu.memref_slice %arg3[%arg0, %arg1, %dma_wait3A_91, %dma_wait3A_92] : memref<2x16x128x80xi32, #tpu.memory_space<hbm>> -> memref<1x1x8x80xi32, #tpu.memory_space<hbm>>
      %dma_wait3A_94 = tpu.memref_squeeze %dma_wait3A_93 : memref<1x1x8x80xi32, #tpu.memory_space<hbm>> -> memref<8x80xi32, #tpu.memory_space<hbm>>
      tpu.wait_dma2 semaphore(%run_scoped3A_63 : memref<!tpu.dma_semaphore, #tpu.memory_space<semaphore_mem>>) src(%dma_wait3A_94 : memref<8x80xi32, #tpu.memory_space<hbm>>) dst(%dma_wait3A_90 : memref<8x80xi32, #tpu.memory_space<vmem>>)
      tpu.yield
    }) : () -> ()
    %run_scoped3A_1 = arith.constant 0 : i32
    "tpu.region"() ({
      %run_scoped3A_63 = tpu.sem_alloc : memref<!tpu.dma_semaphore, #tpu.memory_space<semaphore_mem>>
      %dma_start3A_64 = arith.constant 0 : i32
      %dma_start3A_65 = arith.constant 0 : i32
      %dma_start3A_66 = tpu.memref_slice %arg10[%run_scoped3A_1, %dma_start3A_64, %dma_start3A_65] : memref<2x8x80xi32, #tpu.memory_space<vmem>> -> memref<1x8x80xi32, #tpu.memory_space<vmem>>
      %dma_start3A_67 = tpu.memref_squeeze %dma_start3A_66 : memref<1x8x80xi32, #tpu.memory_space<vmem>> -> memref<8x80xi32, #tpu.memory_space<vmem>>
      %dma_start3A_68 = arith.constant 0 : i32
      %dma_start3A_69 = arith.constant 0 : i32
      %dma_start3A_70 = tpu.memref_slice %arg4[%arg1, %dma_start3A_68, %dma_start3A_69] : memref<16x128x80xi32, #tpu.memory_space<hbm>> -> memref<1x8x80xi32, #tpu.memory_space<hbm>>
      %dma_start3A_71 = tpu.memref_squeeze %dma_start3A_70 : memref<1x8x80xi32, #tpu.memory_space<hbm>> -> memref<8x80xi32, #tpu.memory_space<hbm>>
      %dma_start3A_72 = arith.constant 0 : i32
      %dma_start3A_73 = arith.constant 0 : i32
      %dma_start3A_74 = tpu.memref_slice %arg10[%run_scoped3A_1, %dma_start3A_72, %dma_start3A_73] : memref<2x8x80xi32, #tpu.memory_space<vmem>> -> memref<1x8x80xi32, #tpu.memory_space<vmem>>
      %dma_start3A_75 = tpu.memref_squeeze %dma_start3A_74 : memref<1x8x80xi32, #tpu.memory_space<vmem>> -> memref<8x80xi32, #tpu.memory_space<vmem>>
      %dma_start3A_76 = arith.constant 0 : i32
      %dma_start3A_77 = arith.constant 0 : i32
      %dma_start3A_78 = tpu.memref_slice %arg4[%arg1, %dma_start3A_76, %dma_start3A_77] : memref<16x128x80xi32, #tpu.memory_space<hbm>> -> memref<1x8x80xi32, #tpu.memory_space<hbm>>
      %dma_start3A_79 = tpu.memref_squeeze %dma_start3A_78 : memref<1x8x80xi32, #tpu.memory_space<hbm>> -> memref<8x80xi32, #tpu.memory_space<hbm>>
      tpu.enqueue_dma source(%dma_start3A_79 : memref<8x80xi32, #tpu.memory_space<hbm>>) target(%dma_start3A_75 : memref<8x80xi32, #tpu.memory_space<vmem>>) target_semaphore(%run_scoped3A_63 : memref<!tpu.dma_semaphore, #tpu.memory_space<semaphore_mem>>)
      %dma_wait3A = arith.constant 0 : i32
      %dma_wait3A_80 = arith.constant 0 : i32
      %dma_wait3A_81 = tpu.memref_slice %arg10[%run_scoped3A_1, %dma_wait3A, %dma_wait3A_80] : memref<2x8x80xi32, #tpu.memory_space<vmem>> -> memref<1x8x80xi32, #tpu.memory_space<vmem>>
      %dma_wait3A_82 = tpu.memref_squeeze %dma_wait3A_81 : memref<1x8x80xi32, #tpu.memory_space<vmem>> -> memref<8x80xi32, #tpu.memory_space<vmem>>
      %dma_wait3A_83 = arith.constant 0 : i32
      %dma_wait3A_84 = arith.constant 0 : i32
      %dma_wait3A_85 = tpu.memref_slice %arg4[%arg1, %dma_wait3A_83, %dma_wait3A_84] : memref<16x128x80xi32, #tpu.memory_space<hbm>> -> memref<1x8x80xi32, #tpu.memory_space<hbm>>
      %dma_wait3A_86 = tpu.memref_squeeze %dma_wait3A_85 : memref<1x8x80xi32, #tpu.memory_space<hbm>> -> memref<8x80xi32, #tpu.memory_space<hbm>>
      %dma_wait3A_87 = arith.constant 0 : i32
      %dma_wait3A_88 = arith.constant 0 : i32
      %dma_wait3A_89 = tpu.memref_slice %arg10[%run_scoped3A_1, %dma_wait3A_87, %dma_wait3A_88] : memref<2x8x80xi32, #tpu.memory_space<vmem>> -> memref<1x8x80xi32, #tpu.memory_space<vmem>>
      %dma_wait3A_90 = tpu.memref_squeeze %dma_wait3A_89 : memref<1x8x80xi32, #tpu.memory_space<vmem>> -> memref<8x80xi32, #tpu.memory_space<vmem>>
      %dma_wait3A_91 = arith.constant 0 : i32
      %dma_wait3A_92 = arith.constant 0 : i32
      %dma_wait3A_93 = tpu.memref_slice %arg4[%arg1, %dma_wait3A_91, %dma_wait3A_92] : memref<16x128x80xi32, #tpu.memory_space<hbm>> -> memref<1x8x80xi32, #tpu.memory_space<hbm>>
      %dma_wait3A_94 = tpu.memref_squeeze %dma_wait3A_93 : memref<1x8x80xi32, #tpu.memory_space<hbm>> -> memref<8x80xi32, #tpu.memory_space<hbm>>
      tpu.wait_dma2 semaphore(%run_scoped3A_63 : memref<!tpu.dma_semaphore, #tpu.memory_space<semaphore_mem>>) src(%dma_wait3A_94 : memref<8x80xi32, #tpu.memory_space<hbm>>) dst(%dma_wait3A_90 : memref<8x80xi32, #tpu.memory_space<vmem>>)
      tpu.yield
    }) : () -> ()
    %barrier3A = arith.constant 0 : index
    tpu.barrier barrier_id(%barrier3A)
    %dma_start3A = arith.constant 0 : i32
    %dma_start3A_2 = arith.constant 0 : i32
    %dma_start3A_3 = arith.constant 0 : i32
    %dma_start3A_4 = arith.constant 0 : i32
    %dma_start3A_5 = arith.constant 0 : i32
    %dma_start3A_6 = tpu.memref_slice %arg11[%dma_start3A_3, %dma_start3A_4, %dma_start3A_5] : memref<4x80x128xf32, #tpu.memory_space<vmem>> -> memref<1x80x128xf32, #tpu.memory_space<vmem>>
    %dma_start3A_7 = tpu.memref_squeeze %dma_start3A_6 : memref<1x80x128xf32, #tpu.memory_space<vmem>> -> memref<80x128xf32, #tpu.memory_space<vmem>>
    %dma_start3A_8 = arith.constant 0 : i32
    %dma_start3A_9 = tpu.memref_slice %arg9[%dma_start3A, %dma_start3A_2, %dma_start3A_8] : memref<2x8x80xi32, #tpu.memory_space<vmem>> -> memref<1x1x80xi32, #tpu.memory_space<vmem>>
    %dma_start3A_10 = tpu.memref_squeeze %dma_start3A_9 : memref<1x1x80xi32, #tpu.memory_space<vmem>> -> memref<80xi32, #tpu.memory_space<vmem>>
    %dma_start3A_11 = arith.constant 0 : i32
    %dma_start3A_12 = arith.constant 0 : i32
    %dma_start3A_13 = tpu.memref_slice %arg2[%dma_start3A_11, %dma_start3A_12] : memref<20000x128xf32, #tpu.memory_space<hbm>> -> memref<20000x128xf32, #tpu.memory_space<hbm>>
    tpu.enqueue_indirect_dma source(%dma_start3A_13 : memref<20000x128xf32, #tpu.memory_space<hbm>>) target(%dma_start3A_7 : memref<80x128xf32, #tpu.memory_space<vmem>>) offsets(%dma_start3A_10 : memref<80xi32, #tpu.memory_space<vmem>>) semaphore(%arg15 : memref<!tpu.dma_semaphore, #tpu.memory_space<semaphore_mem>>)
    %dma_start3A_14 = arith.constant 0 : i32
    %dma_start3A_15 = arith.constant 1 : i32
    %dma_start3A_16 = arith.constant 1 : i32
    %dma_start3A_17 = arith.constant 0 : i32
    %dma_start3A_18 = arith.constant 0 : i32
    %dma_start3A_19 = tpu.memref_slice %arg11[%dma_start3A_16, %dma_start3A_17, %dma_start3A_18] : memref<4x80x128xf32, #tpu.memory_space<vmem>> -> memref<1x80x128xf32, #tpu.memory_space<vmem>>
    %dma_start3A_20 = tpu.memref_squeeze %dma_start3A_19 : memref<1x80x128xf32, #tpu.memory_space<vmem>> -> memref<80x128xf32, #tpu.memory_space<vmem>>
    %dma_start3A_21 = arith.constant 0 : i32
    %dma_start3A_22 = tpu.memref_slice %arg9[%dma_start3A_14, %dma_start3A_15, %dma_start3A_21] : memref<2x8x80xi32, #tpu.memory_space<vmem>> -> memref<1x1x80xi32, #tpu.memory_space<vmem>>
    %dma_start3A_23 = tpu.memref_squeeze %dma_start3A_22 : memref<1x1x80xi32, #tpu.memory_space<vmem>> -> memref<80xi32, #tpu.memory_space<vmem>>
    %dma_start3A_24 = arith.constant 0 : i32
    %dma_start3A_25 = arith.constant 0 : i32
    %dma_start3A_26 = tpu.memref_slice %arg2[%dma_start3A_24, %dma_start3A_25] : memref<20000x128xf32, #tpu.memory_space<hbm>> -> memref<20000x128xf32, #tpu.memory_space<hbm>>
    tpu.enqueue_indirect_dma source(%dma_start3A_26 : memref<20000x128xf32, #tpu.memory_space<hbm>>) target(%dma_start3A_20 : memref<80x128xf32, #tpu.memory_space<vmem>>) offsets(%dma_start3A_23 : memref<80xi32, #tpu.memory_space<vmem>>) semaphore(%arg16 : memref<!tpu.dma_semaphore, #tpu.memory_space<semaphore_mem>>)
    %dma_start3A_27 = arith.constant 0 : i32
    %dma_start3A_28 = arith.constant 2 : i32
    %dma_start3A_29 = arith.constant 2 : i32
    %dma_start3A_30 = arith.constant 0 : i32
    %dma_start3A_31 = arith.constant 0 : i32
    %dma_start3A_32 = tpu.memref_slice %arg11[%dma_start3A_29, %dma_start3A_30, %dma_start3A_31] : memref<4x80x128xf32, #tpu.memory_space<vmem>> -> memref<1x80x128xf32, #tpu.memory_space<vmem>>
    %dma_start3A_33 = tpu.memref_squeeze %dma_start3A_32 : memref<1x80x128xf32, #tpu.memory_space<vmem>> -> memref<80x128xf32, #tpu.memory_space<vmem>>
    %dma_start3A_34 = arith.constant 0 : i32
    %dma_start3A_35 = tpu.memref_slice %arg9[%dma_start3A_27, %dma_start3A_28, %dma_start3A_34] : memref<2x8x80xi32, #tpu.memory_space<vmem>> -> memref<1x1x80xi32, #tpu.memory_space<vmem>>
    %dma_start3A_36 = tpu.memref_squeeze %dma_start3A_35 : memref<1x1x80xi32, #tpu.memory_space<vmem>> -> memref<80xi32, #tpu.memory_space<vmem>>
    %dma_start3A_37 = arith.constant 0 : i32
    %dma_start3A_38 = arith.constant 0 : i32
    %dma_start3A_39 = tpu.memref_slice %arg2[%dma_start3A_37, %dma_start3A_38] : memref<20000x128xf32, #tpu.memory_space<hbm>> -> memref<20000x128xf32, #tpu.memory_space<hbm>>
    tpu.enqueue_indirect_dma source(%dma_start3A_39 : memref<20000x128xf32, #tpu.memory_space<hbm>>) target(%dma_start3A_33 : memref<80x128xf32, #tpu.memory_space<vmem>>) offsets(%dma_start3A_36 : memref<80xi32, #tpu.memory_space<vmem>>) semaphore(%arg17 : memref<!tpu.dma_semaphore, #tpu.memory_space<semaphore_mem>>)
    %dma_start3A_40 = arith.constant 0 : i32
    %dma_start3A_41 = arith.constant 3 : i32
    %dma_start3A_42 = arith.constant 3 : i32
    %dma_start3A_43 = arith.constant 0 : i32
    %dma_start3A_44 = arith.constant 0 : i32
    %dma_start3A_45 = tpu.memref_slice %arg11[%dma_start3A_42, %dma_start3A_43, %dma_start3A_44] : memref<4x80x128xf32, #tpu.memory_space<vmem>> -> memref<1x80x128xf32, #tpu.memory_space<vmem>>
    %dma_start3A_46 = tpu.memref_squeeze %dma_start3A_45 : memref<1x80x128xf32, #tpu.memory_space<vmem>> -> memref<80x128xf32, #tpu.memory_space<vmem>>
    %dma_start3A_47 = arith.constant 0 : i32
    %dma_start3A_48 = tpu.memref_slice %arg9[%dma_start3A_40, %dma_start3A_41, %dma_start3A_47] : memref<2x8x80xi32, #tpu.memory_space<vmem>> -> memref<1x1x80xi32, #tpu.memory_space<vmem>>
    %dma_start3A_49 = tpu.memref_squeeze %dma_start3A_48 : memref<1x1x80xi32, #tpu.memory_space<vmem>> -> memref<80xi32, #tpu.memory_space<vmem>>
    %dma_start3A_50 = arith.constant 0 : i32
    %dma_start3A_51 = arith.constant 0 : i32
    %dma_start3A_52 = tpu.memref_slice %arg2[%dma_start3A_50, %dma_start3A_51] : memref<20000x128xf32, #tpu.memory_space<hbm>> -> memref<20000x128xf32, #tpu.memory_space<hbm>>
    tpu.enqueue_indirect_dma source(%dma_start3A_52 : memref<20000x128xf32, #tpu.memory_space<hbm>>) target(%dma_start3A_46 : memref<80x128xf32, #tpu.memory_space<vmem>>) offsets(%dma_start3A_49 : memref<80xi32, #tpu.memory_space<vmem>>) semaphore(%arg18 : memref<!tpu.dma_semaphore, #tpu.memory_space<semaphore_mem>>)
    %scan3A = arith.constant 0 : i32
    %scan3A_53 = arith.constant 0 : i32
    %scan3A_54 = arith.constant 16 : i32
    %scan3A_55 = arith.addi %scan3A_53, %scan3A_54 : i32
    %scan3A_56 = arith.constant 1 : i32
    scf.for %scan3A_63 = %scan3A_53 to %scan3A_55 step %scan3A_56  : i32 {
      %rem3A = arith.constant 2 : i32
      %rem3A_64 = arith.remsi %scan3A_63, %rem3A : i32
      %sub3A = arith.constant 1 : i32
      %sub3A_65 = arith.subi %sub3A, %rem3A_64 : i32
      %dma_start3A_66 = arith.constant 4 : i32
      %dma_start3A_67 = arith.constant 0 : i32
      %dma_start3A_68 = arith.constant 0 : i32
      %dma_start3A_69 = arith.constant 0 : i32
      %dma_start3A_70 = tpu.memref_slice %arg11[%dma_start3A_67, %dma_start3A_68, %dma_start3A_69] : memref<4x80x128xf32, #tpu.memory_space<vmem>> -> memref<1x80x128xf32, #tpu.memory_space<vmem>>
      %dma_start3A_71 = tpu.memref_squeeze %dma_start3A_70 : memref<1x80x128xf32, #tpu.memory_space<vmem>> -> memref<80x128xf32, #tpu.memory_space<vmem>>
      %dma_start3A_72 = arith.constant 0 : i32
      %dma_start3A_73 = tpu.memref_slice %arg9[%rem3A_64, %dma_start3A_66, %dma_start3A_72] : memref<2x8x80xi32, #tpu.memory_space<vmem>> -> memref<1x1x80xi32, #tpu.memory_space<vmem>>
      %dma_start3A_74 = tpu.memref_squeeze %dma_start3A_73 : memref<1x1x80xi32, #tpu.memory_space<vmem>> -> memref<80xi32, #tpu.memory_space<vmem>>
      %dma_start3A_75 = arith.constant 0 : i32
      %dma_start3A_76 = arith.constant 0 : i32
      %dma_start3A_77 = tpu.memref_slice %arg2[%dma_start3A_75, %dma_start3A_76] : memref<20000x128xf32, #tpu.memory_space<hbm>> -> memref<20000x128xf32, #tpu.memory_space<hbm>>
      tpu.enqueue_indirect_dma source(%dma_start3A_77 : memref<20000x128xf32, #tpu.memory_space<hbm>>) target(%dma_start3A_71 : memref<80x128xf32, #tpu.memory_space<vmem>>) offsets(%dma_start3A_74 : memref<80xi32, #tpu.memory_space<vmem>>) semaphore(%arg15 : memref<!tpu.dma_semaphore, #tpu.memory_space<semaphore_mem>>)
      %dma_wait3A = arith.constant 0 : i32
      %dma_wait3A_78 = arith.constant 0 : i32
      %dma_wait3A_79 = arith.constant 0 : i32
      %dma_wait3A_80 = arith.constant 0 : i32
      %dma_wait3A_81 = tpu.memref_slice %arg11[%dma_wait3A_78, %dma_wait3A_79, %dma_wait3A_80] : memref<4x80x128xf32, #tpu.memory_space<vmem>> -> memref<1x80x128xf32, #tpu.memory_space<vmem>>
      %dma_wait3A_82 = tpu.memref_squeeze %dma_wait3A_81 : memref<1x80x128xf32, #tpu.memory_space<vmem>> -> memref<80x128xf32, #tpu.memory_space<vmem>>
      %dma_wait3A_83 = arith.constant 0 : i32
      %dma_wait3A_84 = tpu.memref_slice %arg9[%rem3A_64, %dma_wait3A, %dma_wait3A_83] : memref<2x8x80xi32, #tpu.memory_space<vmem>> -> memref<1x1x80xi32, #tpu.memory_space<vmem>>
      %dma_wait3A_85 = tpu.memref_squeeze %dma_wait3A_84 : memref<1x1x80xi32, #tpu.memory_space<vmem>> -> memref<80xi32, #tpu.memory_space<vmem>>
      %dma_wait3A_86 = arith.constant 0 : i32
      %dma_wait3A_87 = arith.constant 0 : i32
      %dma_wait3A_88 = tpu.memref_slice %arg2[%dma_wait3A_86, %dma_wait3A_87] : memref<20000x128xf32, #tpu.memory_space<hbm>> -> memref<20000x128xf32, #tpu.memory_space<hbm>>
      tpu.wait_indirect_dma semaphore(%arg15 : memref<!tpu.dma_semaphore, #tpu.memory_space<semaphore_mem>>) src(%dma_wait3A_88 : memref<20000x128xf32, #tpu.memory_space<hbm>>) dst(%dma_wait3A_82 : memref<80x128xf32, #tpu.memory_space<vmem>>)
      %dma_start3A_89 = arith.constant 5 : i32
      %dma_start3A_90 = arith.constant 1 : i32
      %dma_start3A_91 = arith.constant 0 : i32
      %dma_start3A_92 = arith.constant 0 : i32
      %dma_start3A_93 = tpu.memref_slice %arg11[%dma_start3A_90, %dma_start3A_91, %dma_start3A_92] : memref<4x80x128xf32, #tpu.memory_space<vmem>> -> memref<1x80x128xf32, #tpu.memory_space<vmem>>
      %dma_start3A_94 = tpu.memref_squeeze %dma_start3A_93 : memref<1x80x128xf32, #tpu.memory_space<vmem>> -> memref<80x128xf32, #tpu.memory_space<vmem>>
      %dma_start3A_95 = arith.constant 0 : i32
      %dma_start3A_96 = tpu.memref_slice %arg9[%rem3A_64, %dma_start3A_89, %dma_start3A_95] : memref<2x8x80xi32, #tpu.memory_space<vmem>> -> memref<1x1x80xi32, #tpu.memory_space<vmem>>
      %dma_start3A_97 = tpu.memref_squeeze %dma_start3A_96 : memref<1x1x80xi32, #tpu.memory_space<vmem>> -> memref<80xi32, #tpu.memory_space<vmem>>
      %dma_start3A_98 = arith.constant 0 : i32
      %dma_start3A_99 = arith.constant 0 : i32
      %dma_start3A_100 = tpu.memref_slice %arg2[%dma_start3A_98, %dma_start3A_99] : memref<20000x128xf32, #tpu.memory_space<hbm>> -> memref<20000x128xf32, #tpu.memory_space<hbm>>
      tpu.enqueue_indirect_dma source(%dma_start3A_100 : memref<20000x128xf32, #tpu.memory_space<hbm>>) target(%dma_start3A_94 : memref<80x128xf32, #tpu.memory_space<vmem>>) offsets(%dma_start3A_97 : memref<80xi32, #tpu.memory_space<vmem>>) semaphore(%arg16 : memref<!tpu.dma_semaphore, #tpu.memory_space<semaphore_mem>>)
      %dma_wait3A_101 = arith.constant 1 : i32
      %dma_wait3A_102 = arith.constant 1 : i32
      %dma_wait3A_103 = arith.constant 0 : i32
      %dma_wait3A_104 = arith.constant 0 : i32
      %dma_wait3A_105 = tpu.memref_slice %arg11[%dma_wait3A_102, %dma_wait3A_103, %dma_wait3A_104] : memref<4x80x128xf32, #tpu.memory_space<vmem>> -> memref<1x80x128xf32, #tpu.memory_space<vmem>>
      %dma_wait3A_106 = tpu.memref_squeeze %dma_wait3A_105 : memref<1x80x128xf32, #tpu.memory_space<vmem>> -> memref<80x128xf32, #tpu.memory_space<vmem>>
      %dma_wait3A_107 = arith.constant 0 : i32
      %dma_wait3A_108 = tpu.memref_slice %arg9[%rem3A_64, %dma_wait3A_101, %dma_wait3A_107] : memref<2x8x80xi32, #tpu.memory_space<vmem>> -> memref<1x1x80xi32, #tpu.memory_space<vmem>>
      %dma_wait3A_109 = tpu.memref_squeeze %dma_wait3A_108 : memref<1x1x80xi32, #tpu.memory_space<vmem>> -> memref<80xi32, #tpu.memory_space<vmem>>
      %dma_wait3A_110 = arith.constant 0 : i32
      %dma_wait3A_111 = arith.constant 0 : i32
      %dma_wait3A_112 = tpu.memref_slice %arg2[%dma_wait3A_110, %dma_wait3A_111] : memref<20000x128xf32, #tpu.memory_space<hbm>> -> memref<20000x128xf32, #tpu.memory_space<hbm>>
      tpu.wait_indirect_dma semaphore(%arg16 : memref<!tpu.dma_semaphore, #tpu.memory_space<semaphore_mem>>) src(%dma_wait3A_112 : memref<20000x128xf32, #tpu.memory_space<hbm>>) dst(%dma_wait3A_106 : memref<80x128xf32, #tpu.memory_space<vmem>>)
      %dma_start3A_113 = arith.constant 6 : i32
      %dma_start3A_114 = arith.constant 2 : i32
      %dma_start3A_115 = arith.constant 0 : i32
      %dma_start3A_116 = arith.constant 0 : i32
      %dma_start3A_117 = tpu.memref_slice %arg11[%dma_start3A_114, %dma_start3A_115, %dma_start3A_116] : memref<4x80x128xf32, #tpu.memory_space<vmem>> -> memref<1x80x128xf32, #tpu.memory_space<vmem>>
      %dma_start3A_118 = tpu.memref_squeeze %dma_start3A_117 : memref<1x80x128xf32, #tpu.memory_space<vmem>> -> memref<80x128xf32, #tpu.memory_space<vmem>>
      %dma_start3A_119 = arith.constant 0 : i32
      %dma_start3A_120 = tpu.memref_slice %arg9[%rem3A_64, %dma_start3A_113, %dma_start3A_119] : memref<2x8x80xi32, #tpu.memory_space<vmem>> -> memref<1x1x80xi32, #tpu.memory_space<vmem>>
      %dma_start3A_121 = tpu.memref_squeeze %dma_start3A_120 : memref<1x1x80xi32, #tpu.memory_space<vmem>> -> memref<80xi32, #tpu.memory_space<vmem>>
      %dma_start3A_122 = arith.constant 0 : i32
      %dma_start3A_123 = arith.constant 0 : i32
      %dma_start3A_124 = tpu.memref_slice %arg2[%dma_start3A_122, %dma_start3A_123] : memref<20000x128xf32, #tpu.memory_space<hbm>> -> memref<20000x128xf32, #tpu.memory_space<hbm>>
      tpu.enqueue_indirect_dma source(%dma_start3A_124 : memref<20000x128xf32, #tpu.memory_space<hbm>>) target(%dma_start3A_118 : memref<80x128xf32, #tpu.memory_space<vmem>>) offsets(%dma_start3A_121 : memref<80xi32, #tpu.memory_space<vmem>>) semaphore(%arg17 : memref<!tpu.dma_semaphore, #tpu.memory_space<semaphore_mem>>)
      %dma_wait3A_125 = arith.constant 2 : i32
      %dma_wait3A_126 = arith.constant 2 : i32
      %dma_wait3A_127 = arith.constant 0 : i32
      %dma_wait3A_128 = arith.constant 0 : i32
      %dma_wait3A_129 = tpu.memref_slice %arg11[%dma_wait3A_126, %dma_wait3A_127, %dma_wait3A_128] : memref<4x80x128xf32, #tpu.memory_space<vmem>> -> memref<1x80x128xf32, #tpu.memory_space<vmem>>
      %dma_wait3A_130 = tpu.memref_squeeze %dma_wait3A_129 : memref<1x80x128xf32, #tpu.memory_space<vmem>> -> memref<80x128xf32, #tpu.memory_space<vmem>>
      %dma_wait3A_131 = arith.constant 0 : i32
      %dma_wait3A_132 = tpu.memref_slice %arg9[%rem3A_64, %dma_wait3A_125, %dma_wait3A_131] : memref<2x8x80xi32, #tpu.memory_space<vmem>> -> memref<1x1x80xi32, #tpu.memory_space<vmem>>
      %dma_wait3A_133 = tpu.memref_squeeze %dma_wait3A_132 : memref<1x1x80xi32, #tpu.memory_space<vmem>> -> memref<80xi32, #tpu.memory_space<vmem>>
      %dma_wait3A_134 = arith.constant 0 : i32
      %dma_wait3A_135 = arith.constant 0 : i32
      %dma_wait3A_136 = tpu.memref_slice %arg2[%dma_wait3A_134, %dma_wait3A_135] : memref<20000x128xf32, #tpu.memory_space<hbm>> -> memref<20000x128xf32, #tpu.memory_space<hbm>>
      tpu.wait_indirect_dma semaphore(%arg17 : memref<!tpu.dma_semaphore, #tpu.memory_space<semaphore_mem>>) src(%dma_wait3A_136 : memref<20000x128xf32, #tpu.memory_space<hbm>>) dst(%dma_wait3A_130 : memref<80x128xf32, #tpu.memory_space<vmem>>)
      %dma_start3A_137 = arith.constant 7 : i32
      %dma_start3A_138 = arith.constant 3 : i32
      %dma_start3A_139 = arith.constant 0 : i32
      %dma_start3A_140 = arith.constant 0 : i32
      %dma_start3A_141 = tpu.memref_slice %arg11[%dma_start3A_138, %dma_start3A_139, %dma_start3A_140] : memref<4x80x128xf32, #tpu.memory_space<vmem>> -> memref<1x80x128xf32, #tpu.memory_space<vmem>>
      %dma_start3A_142 = tpu.memref_squeeze %dma_start3A_141 : memref<1x80x128xf32, #tpu.memory_space<vmem>> -> memref<80x128xf32, #tpu.memory_space<vmem>>
      %dma_start3A_143 = arith.constant 0 : i32
      %dma_start3A_144 = tpu.memref_slice %arg9[%rem3A_64, %dma_start3A_137, %dma_start3A_143] : memref<2x8x80xi32, #tpu.memory_space<vmem>> -> memref<1x1x80xi32, #tpu.memory_space<vmem>>
      %dma_start3A_145 = tpu.memref_squeeze %dma_start3A_144 : memref<1x1x80xi32, #tpu.memory_space<vmem>> -> memref<80xi32, #tpu.memory_space<vmem>>
      %dma_start3A_146 = arith.constant 0 : i32
      %dma_start3A_147 = arith.constant 0 : i32
      %dma_start3A_148 = tpu.memref_slice %arg2[%dma_start3A_146, %dma_start3A_147] : memref<20000x128xf32, #tpu.memory_space<hbm>> -> memref<20000x128xf32, #tpu.memory_space<hbm>>
      tpu.enqueue_indirect_dma source(%dma_start3A_148 : memref<20000x128xf32, #tpu.memory_space<hbm>>) target(%dma_start3A_142 : memref<80x128xf32, #tpu.memory_space<vmem>>) offsets(%dma_start3A_145 : memref<80xi32, #tpu.memory_space<vmem>>) semaphore(%arg18 : memref<!tpu.dma_semaphore, #tpu.memory_space<semaphore_mem>>)
      %dma_wait3A_149 = arith.constant 3 : i32
      %dma_wait3A_150 = arith.constant 3 : i32
      %dma_wait3A_151 = arith.constant 0 : i32
      %dma_wait3A_152 = arith.constant 0 : i32
      %dma_wait3A_153 = tpu.memref_slice %arg11[%dma_wait3A_150, %dma_wait3A_151, %dma_wait3A_152] : memref<4x80x128xf32, #tpu.memory_space<vmem>> -> memref<1x80x128xf32, #tpu.memory_space<vmem>>
      %dma_wait3A_154 = tpu.memref_squeeze %dma_wait3A_153 : memref<1x80x128xf32, #tpu.memory_space<vmem>> -> memref<80x128xf32, #tpu.memory_space<vmem>>
      %dma_wait3A_155 = arith.constant 0 : i32
      %dma_wait3A_156 = tpu.memref_slice %arg9[%rem3A_64, %dma_wait3A_149, %dma_wait3A_155] : memref<2x8x80xi32, #tpu.memory_space<vmem>> -> memref<1x1x80xi32, #tpu.memory_space<vmem>>
      %dma_wait3A_157 = tpu.memref_squeeze %dma_wait3A_156 : memref<1x1x80xi32, #tpu.memory_space<vmem>> -> memref<80xi32, #tpu.memory_space<vmem>>
      %dma_wait3A_158 = arith.constant 0 : i32
      %dma_wait3A_159 = arith.constant 0 : i32
      %dma_wait3A_160 = tpu.memref_slice %arg2[%dma_wait3A_158, %dma_wait3A_159] : memref<20000x128xf32, #tpu.memory_space<hbm>> -> memref<20000x128xf32, #tpu.memory_space<hbm>>
      tpu.wait_indirect_dma semaphore(%arg18 : memref<!tpu.dma_semaphore, #tpu.memory_space<semaphore_mem>>) src(%dma_wait3A_160 : memref<20000x128xf32, #tpu.memory_space<hbm>>) dst(%dma_wait3A_154 : memref<80x128xf32, #tpu.memory_space<vmem>>)
      %add3A = arith.constant 1 : i32
      %add3A_161 = arith.addi %scan3A_63, %add3A : i32
      %lt3A = arith.constant 16 : i32
      %lt3A_162 = arith.cmpi slt, %add3A_161, %lt3A : i32
      %convert_element_type3A_163 = arith.extui %lt3A_162 : i1 to i32
      %cond3A_164 = arith.constant 0 : i32
      %cond3A_165 = arith.cmpi ne, %convert_element_type3A_163, %cond3A_164 : i32
      scf.if %cond3A_165 {
        %add3A_242 = arith.constant 1 : i32
        %add3A_243 = arith.addi %scan3A_63, %add3A_242 : i32
        %mul3A_244 = arith.constant 8 : i32
        %mul3A_245 = arith.muli %add3A_243, %mul3A_244 : i32
        %dma_start3A_246 = arith.constant 0 : i32
        %dma_start3A_247 = arith.constant 0 : i32
        %dma_start3A_248 = tpu.memref_slice %arg9[%sub3A_65, %dma_start3A_246, %dma_start3A_247] : memref<2x8x80xi32, #tpu.memory_space<vmem>> -> memref<1x8x80xi32, #tpu.memory_space<vmem>>
        %dma_start3A_249 = tpu.memref_squeeze %dma_start3A_248 : memref<1x8x80xi32, #tpu.memory_space<vmem>> -> memref<8x80xi32, #tpu.memory_space<vmem>>
        %dma_start3A_250 = arith.constant 0 : i32
        %dma_start3A_251 = tpu.memref_slice %arg3[%arg0, %arg1, %mul3A_245, %dma_start3A_250] : memref<2x16x128x80xi32, #tpu.memory_space<hbm>> -> memref<1x1x8x80xi32, #tpu.memory_space<hbm>>
        %dma_start3A_252 = tpu.memref_squeeze %dma_start3A_251 : memref<1x1x8x80xi32, #tpu.memory_space<hbm>> -> memref<8x80xi32, #tpu.memory_space<hbm>>
        %dma_start3A_253 = arith.constant 0 : i32
        %dma_start3A_254 = arith.constant 0 : i32
        %dma_start3A_255 = tpu.memref_slice %arg9[%sub3A_65, %dma_start3A_253, %dma_start3A_254] : memref<2x8x80xi32, #tpu.memory_space<vmem>> -> memref<1x8x80xi32, #tpu.memory_space<vmem>>
        %dma_start3A_256 = tpu.memref_squeeze %dma_start3A_255 : memref<1x8x80xi32, #tpu.memory_space<vmem>> -> memref<8x80xi32, #tpu.memory_space<vmem>>
        %dma_start3A_257 = arith.constant 0 : i32
        %dma_start3A_258 = tpu.memref_slice %arg3[%arg0, %arg1, %mul3A_245, %dma_start3A_257] : memref<2x16x128x80xi32, #tpu.memory_space<hbm>> -> memref<1x1x8x80xi32, #tpu.memory_space<hbm>>
        %dma_start3A_259 = tpu.memref_squeeze %dma_start3A_258 : memref<1x1x8x80xi32, #tpu.memory_space<hbm>> -> memref<8x80xi32, #tpu.memory_space<hbm>>
        tpu.enqueue_dma source(%dma_start3A_259 : memref<8x80xi32, #tpu.memory_space<hbm>>) target(%dma_start3A_256 : memref<8x80xi32, #tpu.memory_space<vmem>>) target_semaphore(%arg24 : memref<!tpu.dma_semaphore, #tpu.memory_space<semaphore_mem>>)
        %add3A_260 = arith.constant 1 : i32
        %add3A_261 = arith.addi %scan3A_63, %add3A_260 : i32
        %mul3A_262 = arith.constant 8 : i32
        %mul3A_263 = arith.muli %add3A_261, %mul3A_262 : i32
        %dma_start3A_264 = arith.constant 0 : i32
        %dma_start3A_265 = arith.constant 0 : i32
        %dma_start3A_266 = tpu.memref_slice %arg10[%sub3A_65, %dma_start3A_264, %dma_start3A_265] : memref<2x8x80xi32, #tpu.memory_space<vmem>> -> memref<1x8x80xi32, #tpu.memory_space<vmem>>
        %dma_start3A_267 = tpu.memref_squeeze %dma_start3A_266 : memref<1x8x80xi32, #tpu.memory_space<vmem>> -> memref<8x80xi32, #tpu.memory_space<vmem>>
        %dma_start3A_268 = arith.constant 0 : i32
        %dma_start3A_269 = tpu.memref_slice %arg4[%arg1, %mul3A_263, %dma_start3A_268] : memref<16x128x80xi32, #tpu.memory_space<hbm>> -> memref<1x8x80xi32, #tpu.memory_space<hbm>>
        %dma_start3A_270 = tpu.memref_squeeze %dma_start3A_269 : memref<1x8x80xi32, #tpu.memory_space<hbm>> -> memref<8x80xi32, #tpu.memory_space<hbm>>
        %dma_start3A_271 = arith.constant 0 : i32
        %dma_start3A_272 = arith.constant 0 : i32
        %dma_start3A_273 = tpu.memref_slice %arg10[%sub3A_65, %dma_start3A_271, %dma_start3A_272] : memref<2x8x80xi32, #tpu.memory_space<vmem>> -> memref<1x8x80xi32, #tpu.memory_space<vmem>>
        %dma_start3A_274 = tpu.memref_squeeze %dma_start3A_273 : memref<1x8x80xi32, #tpu.memory_space<vmem>> -> memref<8x80xi32, #tpu.memory_space<vmem>>
        %dma_start3A_275 = arith.constant 0 : i32
        %dma_start3A_276 = tpu.memref_slice %arg4[%arg1, %mul3A_263, %dma_start3A_275] : memref<16x128x80xi32, #tpu.memory_space<hbm>> -> memref<1x8x80xi32, #tpu.memory_space<hbm>>
        %dma_start3A_277 = tpu.memref_squeeze %dma_start3A_276 : memref<1x8x80xi32, #tpu.memory_space<hbm>> -> memref<8x80xi32, #tpu.memory_space<hbm>>
        tpu.enqueue_dma source(%dma_start3A_277 : memref<8x80xi32, #tpu.memory_space<hbm>>) target(%dma_start3A_274 : memref<8x80xi32, #tpu.memory_space<vmem>>) target_semaphore(%arg24 : memref<!tpu.dma_semaphore, #tpu.memory_space<semaphore_mem>>)
      } else {
      }
      %add3A_166 = arith.constant 1 : i32
      %add3A_167 = arith.addi %scan3A_63, %add3A_166 : i32
      %lt3A_168 = arith.constant 16 : i32
      %lt3A_169 = arith.cmpi slt, %add3A_167, %lt3A_168 : i32
      %convert_element_type3A_170 = arith.extui %lt3A_169 : i1 to i32
      %cond3A_171 = arith.constant 0 : i32
      %cond3A_172 = arith.cmpi ne, %convert_element_type3A_170, %cond3A_171 : i32
      scf.if %cond3A_172 {
        %add3A_242 = arith.constant 1 : i32
        %add3A_243 = arith.addi %scan3A_63, %add3A_242 : i32
        %mul3A_244 = arith.constant 8 : i32
        %mul3A_245 = arith.muli %add3A_243, %mul3A_244 : i32
        %dma_wait3A_246 = arith.constant 0 : i32
        %dma_wait3A_247 = arith.constant 0 : i32
        %dma_wait3A_248 = tpu.memref_slice %arg9[%sub3A_65, %dma_wait3A_246, %dma_wait3A_247] : memref<2x8x80xi32, #tpu.memory_space<vmem>> -> memref<1x8x80xi32, #tpu.memory_space<vmem>>
        %dma_wait3A_249 = tpu.memref_squeeze %dma_wait3A_248 : memref<1x8x80xi32, #tpu.memory_space<vmem>> -> memref<8x80xi32, #tpu.memory_space<vmem>>
        %dma_wait3A_250 = arith.constant 0 : i32
        %dma_wait3A_251 = tpu.memref_slice %arg3[%arg0, %arg1, %mul3A_245, %dma_wait3A_250] : memref<2x16x128x80xi32, #tpu.memory_space<hbm>> -> memref<1x1x8x80xi32, #tpu.memory_space<hbm>>
        %dma_wait3A_252 = tpu.memref_squeeze %dma_wait3A_251 : memref<1x1x8x80xi32, #tpu.memory_space<hbm>> -> memref<8x80xi32, #tpu.memory_space<hbm>>
        %dma_wait3A_253 = arith.constant 0 : i32
        %dma_wait3A_254 = arith.constant 0 : i32
        %dma_wait3A_255 = tpu.memref_slice %arg9[%sub3A_65, %dma_wait3A_253, %dma_wait3A_254] : memref<2x8x80xi32, #tpu.memory_space<vmem>> -> memref<1x8x80xi32, #tpu.memory_space<vmem>>
        %dma_wait3A_256 = tpu.memref_squeeze %dma_wait3A_255 : memref<1x8x80xi32, #tpu.memory_space<vmem>> -> memref<8x80xi32, #tpu.memory_space<vmem>>
        %dma_wait3A_257 = arith.constant 0 : i32
        %dma_wait3A_258 = tpu.memref_slice %arg3[%arg0, %arg1, %mul3A_245, %dma_wait3A_257] : memref<2x16x128x80xi32, #tpu.memory_space<hbm>> -> memref<1x1x8x80xi32, #tpu.memory_space<hbm>>
        %dma_wait3A_259 = tpu.memref_squeeze %dma_wait3A_258 : memref<1x1x8x80xi32, #tpu.memory_space<hbm>> -> memref<8x80xi32, #tpu.memory_space<hbm>>
        tpu.wait_dma2 semaphore(%arg24 : memref<!tpu.dma_semaphore, #tpu.memory_space<semaphore_mem>>) src(%dma_wait3A_259 : memref<8x80xi32, #tpu.memory_space<hbm>>) dst(%dma_wait3A_256 : memref<8x80xi32, #tpu.memory_space<vmem>>)
        %add3A_260 = arith.constant 1 : i32
        %add3A_261 = arith.addi %scan3A_63, %add3A_260 : i32
        %mul3A_262 = arith.constant 8 : i32
        %mul3A_263 = arith.muli %add3A_261, %mul3A_262 : i32
        %dma_wait3A_264 = arith.constant 0 : i32
        %dma_wait3A_265 = arith.constant 0 : i32
        %dma_wait3A_266 = tpu.memref_slice %arg10[%sub3A_65, %dma_wait3A_264, %dma_wait3A_265] : memref<2x8x80xi32, #tpu.memory_space<vmem>> -> memref<1x8x80xi32, #tpu.memory_space<vmem>>
        %dma_wait3A_267 = tpu.memref_squeeze %dma_wait3A_266 : memref<1x8x80xi32, #tpu.memory_space<vmem>> -> memref<8x80xi32, #tpu.memory_space<vmem>>
        %dma_wait3A_268 = arith.constant 0 : i32
        %dma_wait3A_269 = tpu.memref_slice %arg4[%arg1, %mul3A_263, %dma_wait3A_268] : memref<16x128x80xi32, #tpu.memory_space<hbm>> -> memref<1x8x80xi32, #tpu.memory_space<hbm>>
        %dma_wait3A_270 = tpu.memref_squeeze %dma_wait3A_269 : memref<1x8x80xi32, #tpu.memory_space<hbm>> -> memref<8x80xi32, #tpu.memory_space<hbm>>
        %dma_wait3A_271 = arith.constant 0 : i32
        %dma_wait3A_272 = arith.constant 0 : i32
        %dma_wait3A_273 = tpu.memref_slice %arg10[%sub3A_65, %dma_wait3A_271, %dma_wait3A_272] : memref<2x8x80xi32, #tpu.memory_space<vmem>> -> memref<1x8x80xi32, #tpu.memory_space<vmem>>
        %dma_wait3A_274 = tpu.memref_squeeze %dma_wait3A_273 : memref<1x8x80xi32, #tpu.memory_space<vmem>> -> memref<8x80xi32, #tpu.memory_space<vmem>>
        %dma_wait3A_275 = arith.constant 0 : i32
        %dma_wait3A_276 = tpu.memref_slice %arg4[%arg1, %mul3A_263, %dma_wait3A_275] : memref<16x128x80xi32, #tpu.memory_space<hbm>> -> memref<1x8x80xi32, #tpu.memory_space<hbm>>
        %dma_wait3A_277 = tpu.memref_squeeze %dma_wait3A_276 : memref<1x8x80xi32, #tpu.memory_space<hbm>> -> memref<8x80xi32, #tpu.memory_space<hbm>>
        tpu.wait_dma2 semaphore(%arg24 : memref<!tpu.dma_semaphore, #tpu.memory_space<semaphore_mem>>) src(%dma_wait3A_277 : memref<8x80xi32, #tpu.memory_space<hbm>>) dst(%dma_wait3A_274 : memref<8x80xi32, #tpu.memory_space<vmem>>)
        %dma_start3A_278 = arith.constant 0 : i32
        %dma_start3A_279 = arith.constant 0 : i32
        %dma_start3A_280 = arith.constant 0 : i32
        %dma_start3A_281 = arith.constant 0 : i32
        %dma_start3A_282 = tpu.memref_slice %arg11[%dma_start3A_279, %dma_start3A_280, %dma_start3A_281] : memref<4x80x128xf32, #tpu.memory_space<vmem>> -> memref<1x80x128xf32, #tpu.memory_space<vmem>>
        %dma_start3A_283 = tpu.memref_squeeze %dma_start3A_282 : memref<1x80x128xf32, #tpu.memory_space<vmem>> -> memref<80x128xf32, #tpu.memory_space<vmem>>
        %dma_start3A_284 = arith.constant 0 : i32
        %dma_start3A_285 = tpu.memref_slice %arg9[%sub3A_65, %dma_start3A_278, %dma_start3A_284] : memref<2x8x80xi32, #tpu.memory_space<vmem>> -> memref<1x1x80xi32, #tpu.memory_space<vmem>>
        %dma_start3A_286 = tpu.memref_squeeze %dma_start3A_285 : memref<1x1x80xi32, #tpu.memory_space<vmem>> -> memref<80xi32, #tpu.memory_space<vmem>>
        %dma_start3A_287 = arith.constant 0 : i32
        %dma_start3A_288 = arith.constant 0 : i32
        %dma_start3A_289 = tpu.memref_slice %arg2[%dma_start3A_287, %dma_start3A_288] : memref<20000x128xf32, #tpu.memory_space<hbm>> -> memref<20000x128xf32, #tpu.memory_space<hbm>>
        tpu.enqueue_indirect_dma source(%dma_start3A_289 : memref<20000x128xf32, #tpu.memory_space<hbm>>) target(%dma_start3A_283 : memref<80x128xf32, #tpu.memory_space<vmem>>) offsets(%dma_start3A_286 : memref<80xi32, #tpu.memory_space<vmem>>) semaphore(%arg15 : memref<!tpu.dma_semaphore, #tpu.memory_space<semaphore_mem>>)
      } else {
      }
      %dma_wait3A_173 = arith.constant 4 : i32
      %dma_wait3A_174 = arith.constant 0 : i32
      %dma_wait3A_175 = arith.constant 0 : i32
      %dma_wait3A_176 = arith.constant 0 : i32
      %dma_wait3A_177 = tpu.memref_slice %arg11[%dma_wait3A_174, %dma_wait3A_175, %dma_wait3A_176] : memref<4x80x128xf32, #tpu.memory_space<vmem>> -> memref<1x80x128xf32, #tpu.memory_space<vmem>>
      %dma_wait3A_178 = tpu.memref_squeeze %dma_wait3A_177 : memref<1x80x128xf32, #tpu.memory_space<vmem>> -> memref<80x128xf32, #tpu.memory_space<vmem>>
      %dma_wait3A_179 = arith.constant 0 : i32
      %dma_wait3A_180 = tpu.memref_slice %arg9[%rem3A_64, %dma_wait3A_173, %dma_wait3A_179] : memref<2x8x80xi32, #tpu.memory_space<vmem>> -> memref<1x1x80xi32, #tpu.memory_space<vmem>>
      %dma_wait3A_181 = tpu.memref_squeeze %dma_wait3A_180 : memref<1x1x80xi32, #tpu.memory_space<vmem>> -> memref<80xi32, #tpu.memory_space<vmem>>
      %dma_wait3A_182 = arith.constant 0 : i32
      %dma_wait3A_183 = arith.constant 0 : i32
      %dma_wait3A_184 = tpu.memref_slice %arg2[%dma_wait3A_182, %dma_wait3A_183] : memref<20000x128xf32, #tpu.memory_space<hbm>> -> memref<20000x128xf32, #tpu.memory_space<hbm>>
      tpu.wait_indirect_dma semaphore(%arg15 : memref<!tpu.dma_semaphore, #tpu.memory_space<semaphore_mem>>) src(%dma_wait3A_184 : memref<20000x128xf32, #tpu.memory_space<hbm>>) dst(%dma_wait3A_178 : memref<80x128xf32, #tpu.memory_space<vmem>>)
      %add3A_185 = arith.constant 1 : i32
      %add3A_186 = arith.addi %scan3A_63, %add3A_185 : i32
      %lt3A_187 = arith.constant 16 : i32
      %lt3A_188 = arith.cmpi slt, %add3A_186, %lt3A_187 : i32
      %convert_element_type3A_189 = arith.extui %lt3A_188 : i1 to i32
      %cond3A_190 = arith.constant 0 : i32
      %cond3A_191 = arith.cmpi ne, %convert_element_type3A_189, %cond3A_190 : i32
      scf.if %cond3A_191 {
        %dma_start3A_242 = arith.constant 1 : i32
        %dma_start3A_243 = arith.constant 1 : i32
        %dma_start3A_244 = arith.constant 0 : i32
        %dma_start3A_245 = arith.constant 0 : i32
        %dma_start3A_246 = tpu.memref_slice %arg11[%dma_start3A_243, %dma_start3A_244, %dma_start3A_245] : memref<4x80x128xf32, #tpu.memory_space<vmem>> -> memref<1x80x128xf32, #tpu.memory_space<vmem>>
        %dma_start3A_247 = tpu.memref_squeeze %dma_start3A_246 : memref<1x80x128xf32, #tpu.memory_space<vmem>> -> memref<80x128xf32, #tpu.memory_space<vmem>>
        %dma_start3A_248 = arith.constant 0 : i32
        %dma_start3A_249 = tpu.memref_slice %arg9[%sub3A_65, %dma_start3A_242, %dma_start3A_248] : memref<2x8x80xi32, #tpu.memory_space<vmem>> -> memref<1x1x80xi32, #tpu.memory_space<vmem>>
        %dma_start3A_250 = tpu.memref_squeeze %dma_start3A_249 : memref<1x1x80xi32, #tpu.memory_space<vmem>> -> memref<80xi32, #tpu.memory_space<vmem>>
        %dma_start3A_251 = arith.constant 0 : i32
        %dma_start3A_252 = arith.constant 0 : i32
        %dma_start3A_253 = tpu.memref_slice %arg2[%dma_start3A_251, %dma_start3A_252] : memref<20000x128xf32, #tpu.memory_space<hbm>> -> memref<20000x128xf32, #tpu.memory_space<hbm>>
        tpu.enqueue_indirect_dma source(%dma_start3A_253 : memref<20000x128xf32, #tpu.memory_space<hbm>>) target(%dma_start3A_247 : memref<80x128xf32, #tpu.memory_space<vmem>>) offsets(%dma_start3A_250 : memref<80xi32, #tpu.memory_space<vmem>>) semaphore(%arg16 : memref<!tpu.dma_semaphore, #tpu.memory_space<semaphore_mem>>)
      } else {
      }
      %dma_wait3A_192 = arith.constant 5 : i32
      %dma_wait3A_193 = arith.constant 1 : i32
      %dma_wait3A_194 = arith.constant 0 : i32
      %dma_wait3A_195 = arith.constant 0 : i32
      %dma_wait3A_196 = tpu.memref_slice %arg11[%dma_wait3A_193, %dma_wait3A_194, %dma_wait3A_195] : memref<4x80x128xf32, #tpu.memory_space<vmem>> -> memref<1x80x128xf32, #tpu.memory_space<vmem>>
      %dma_wait3A_197 = tpu.memref_squeeze %dma_wait3A_196 : memref<1x80x128xf32, #tpu.memory_space<vmem>> -> memref<80x128xf32, #tpu.memory_space<vmem>>
      %dma_wait3A_198 = arith.constant 0 : i32
      %dma_wait3A_199 = tpu.memref_slice %arg9[%rem3A_64, %dma_wait3A_192, %dma_wait3A_198] : memref<2x8x80xi32, #tpu.memory_space<vmem>> -> memref<1x1x80xi32, #tpu.memory_space<vmem>>
      %dma_wait3A_200 = tpu.memref_squeeze %dma_wait3A_199 : memref<1x1x80xi32, #tpu.memory_space<vmem>> -> memref<80xi32, #tpu.memory_space<vmem>>
      %dma_wait3A_201 = arith.constant 0 : i32
      %dma_wait3A_202 = arith.constant 0 : i32
      %dma_wait3A_203 = tpu.memref_slice %arg2[%dma_wait3A_201, %dma_wait3A_202] : memref<20000x128xf32, #tpu.memory_space<hbm>> -> memref<20000x128xf32, #tpu.memory_space<hbm>>
      tpu.wait_indirect_dma semaphore(%arg16 : memref<!tpu.dma_semaphore, #tpu.memory_space<semaphore_mem>>) src(%dma_wait3A_203 : memref<20000x128xf32, #tpu.memory_space<hbm>>) dst(%dma_wait3A_197 : memref<80x128xf32, #tpu.memory_space<vmem>>)
      %add3A_204 = arith.constant 1 : i32
      %add3A_205 = arith.addi %scan3A_63, %add3A_204 : i32
      %lt3A_206 = arith.constant 16 : i32
      %lt3A_207 = arith.cmpi slt, %add3A_205, %lt3A_206 : i32
      %convert_element_type3A_208 = arith.extui %lt3A_207 : i1 to i32
      %cond3A_209 = arith.constant 0 : i32
      %cond3A_210 = arith.cmpi ne, %convert_element_type3A_208, %cond3A_209 : i32
      scf.if %cond3A_210 {
        %dma_start3A_242 = arith.constant 2 : i32
        %dma_start3A_243 = arith.constant 2 : i32
        %dma_start3A_244 = arith.constant 0 : i32
        %dma_start3A_245 = arith.constant 0 : i32
        %dma_start3A_246 = tpu.memref_slice %arg11[%dma_start3A_243, %dma_start3A_244, %dma_start3A_245] : memref<4x80x128xf32, #tpu.memory_space<vmem>> -> memref<1x80x128xf32, #tpu.memory_space<vmem>>
        %dma_start3A_247 = tpu.memref_squeeze %dma_start3A_246 : memref<1x80x128xf32, #tpu.memory_space<vmem>> -> memref<80x128xf32, #tpu.memory_space<vmem>>
        %dma_start3A_248 = arith.constant 0 : i32
        %dma_start3A_249 = tpu.memref_slice %arg9[%sub3A_65, %dma_start3A_242, %dma_start3A_248] : memref<2x8x80xi32, #tpu.memory_space<vmem>> -> memref<1x1x80xi32, #tpu.memory_space<vmem>>
        %dma_start3A_250 = tpu.memref_squeeze %dma_start3A_249 : memref<1x1x80xi32, #tpu.memory_space<vmem>> -> memref<80xi32, #tpu.memory_space<vmem>>
        %dma_start3A_251 = arith.constant 0 : i32
        %dma_start3A_252 = arith.constant 0 : i32
        %dma_start3A_253 = tpu.memref_slice %arg2[%dma_start3A_251, %dma_start3A_252] : memref<20000x128xf32, #tpu.memory_space<hbm>> -> memref<20000x128xf32, #tpu.memory_space<hbm>>
        tpu.enqueue_indirect_dma source(%dma_start3A_253 : memref<20000x128xf32, #tpu.memory_space<hbm>>) target(%dma_start3A_247 : memref<80x128xf32, #tpu.memory_space<vmem>>) offsets(%dma_start3A_250 : memref<80xi32, #tpu.memory_space<vmem>>) semaphore(%arg17 : memref<!tpu.dma_semaphore, #tpu.memory_space<semaphore_mem>>)
      } else {
      }
      %dma_wait3A_211 = arith.constant 6 : i32
      %dma_wait3A_212 = arith.constant 2 : i32
      %dma_wait3A_213 = arith.constant 0 : i32
      %dma_wait3A_214 = arith.constant 0 : i32
      %dma_wait3A_215 = tpu.memref_slice %arg11[%dma_wait3A_212, %dma_wait3A_213, %dma_wait3A_214] : memref<4x80x128xf32, #tpu.memory_space<vmem>> -> memref<1x80x128xf32, #tpu.memory_space<vmem>>
      %dma_wait3A_216 = tpu.memref_squeeze %dma_wait3A_215 : memref<1x80x128xf32, #tpu.memory_space<vmem>> -> memref<80x128xf32, #tpu.memory_space<vmem>>
      %dma_wait3A_217 = arith.constant 0 : i32
      %dma_wait3A_218 = tpu.memref_slice %arg9[%rem3A_64, %dma_wait3A_211, %dma_wait3A_217] : memref<2x8x80xi32, #tpu.memory_space<vmem>> -> memref<1x1x80xi32, #tpu.memory_space<vmem>>
      %dma_wait3A_219 = tpu.memref_squeeze %dma_wait3A_218 : memref<1x1x80xi32, #tpu.memory_space<vmem>> -> memref<80xi32, #tpu.memory_space<vmem>>
      %dma_wait3A_220 = arith.constant 0 : i32
      %dma_wait3A_221 = arith.constant 0 : i32
      %dma_wait3A_222 = tpu.memref_slice %arg2[%dma_wait3A_220, %dma_wait3A_221] : memref<20000x128xf32, #tpu.memory_space<hbm>> -> memref<20000x128xf32, #tpu.memory_space<hbm>>
      tpu.wait_indirect_dma semaphore(%arg17 : memref<!tpu.dma_semaphore, #tpu.memory_space<semaphore_mem>>) src(%dma_wait3A_222 : memref<20000x128xf32, #tpu.memory_space<hbm>>) dst(%dma_wait3A_216 : memref<80x128xf32, #tpu.memory_space<vmem>>)
      %add3A_223 = arith.constant 1 : i32
      %add3A_224 = arith.addi %scan3A_63, %add3A_223 : i32
      %lt3A_225 = arith.constant 16 : i32
      %lt3A_226 = arith.cmpi slt, %add3A_224, %lt3A_225 : i32
      %convert_element_type3A_227 = arith.extui %lt3A_226 : i1 to i32
      %cond3A_228 = arith.constant 0 : i32
      %cond3A_229 = arith.cmpi ne, %convert_element_type3A_227, %cond3A_228 : i32
      scf.if %cond3A_229 {
        %dma_start3A_242 = arith.constant 3 : i32
        %dma_start3A_243 = arith.constant 3 : i32
        %dma_start3A_244 = arith.constant 0 : i32
        %dma_start3A_245 = arith.constant 0 : i32
        %dma_start3A_246 = tpu.memref_slice %arg11[%dma_start3A_243, %dma_start3A_244, %dma_start3A_245] : memref<4x80x128xf32, #tpu.memory_space<vmem>> -> memref<1x80x128xf32, #tpu.memory_space<vmem>>
        %dma_start3A_247 = tpu.memref_squeeze %dma_start3A_246 : memref<1x80x128xf32, #tpu.memory_space<vmem>> -> memref<80x128xf32, #tpu.memory_space<vmem>>
        %dma_start3A_248 = arith.constant 0 : i32
        %dma_start3A_249 = tpu.memref_slice %arg9[%sub3A_65, %dma_start3A_242, %dma_start3A_248] : memref<2x8x80xi32, #tpu.memory_space<vmem>> -> memref<1x1x80xi32, #tpu.memory_space<vmem>>
        %dma_start3A_250 = tpu.memref_squeeze %dma_start3A_249 : memref<1x1x80xi32, #tpu.memory_space<vmem>> -> memref<80xi32, #tpu.memory_space<vmem>>
        %dma_start3A_251 = arith.constant 0 : i32
        %dma_start3A_252 = arith.constant 0 : i32
        %dma_start3A_253 = tpu.memref_slice %arg2[%dma_start3A_251, %dma_start3A_252] : memref<20000x128xf32, #tpu.memory_space<hbm>> -> memref<20000x128xf32, #tpu.memory_space<hbm>>
        tpu.enqueue_indirect_dma source(%dma_start3A_253 : memref<20000x128xf32, #tpu.memory_space<hbm>>) target(%dma_start3A_247 : memref<80x128xf32, #tpu.memory_space<vmem>>) offsets(%dma_start3A_250 : memref<80xi32, #tpu.memory_space<vmem>>) semaphore(%arg18 : memref<!tpu.dma_semaphore, #tpu.memory_space<semaphore_mem>>)
      } else {
      }
      %dma_wait3A_230 = arith.constant 7 : i32
      %dma_wait3A_231 = arith.constant 3 : i32
      %dma_wait3A_232 = arith.constant 0 : i32
      %dma_wait3A_233 = arith.constant 0 : i32
      %dma_wait3A_234 = tpu.memref_slice %arg11[%dma_wait3A_231, %dma_wait3A_232, %dma_wait3A_233] : memref<4x80x128xf32, #tpu.memory_space<vmem>> -> memref<1x80x128xf32, #tpu.memory_space<vmem>>
      %dma_wait3A_235 = tpu.memref_squeeze %dma_wait3A_234 : memref<1x80x128xf32, #tpu.memory_space<vmem>> -> memref<80x128xf32, #tpu.memory_space<vmem>>
      %dma_wait3A_236 = arith.constant 0 : i32
      %dma_wait3A_237 = tpu.memref_slice %arg9[%rem3A_64, %dma_wait3A_230, %dma_wait3A_236] : memref<2x8x80xi32, #tpu.memory_space<vmem>> -> memref<1x1x80xi32, #tpu.memory_space<vmem>>
      %dma_wait3A_238 = tpu.memref_squeeze %dma_wait3A_237 : memref<1x1x80xi32, #tpu.memory_space<vmem>> -> memref<80xi32, #tpu.memory_space<vmem>>
      %dma_wait3A_239 = arith.constant 0 : i32
      %dma_wait3A_240 = arith.constant 0 : i32
      %dma_wait3A_241 = tpu.memref_slice %arg2[%dma_wait3A_239, %dma_wait3A_240] : memref<20000x128xf32, #tpu.memory_space<hbm>> -> memref<20000x128xf32, #tpu.memory_space<hbm>>
      tpu.wait_indirect_dma semaphore(%arg18 : memref<!tpu.dma_semaphore, #tpu.memory_space<semaphore_mem>>) src(%dma_wait3A_241 : memref<20000x128xf32, #tpu.memory_space<hbm>>) dst(%dma_wait3A_235 : memref<80x128xf32, #tpu.memory_space<vmem>>)
    }
    %scan3A_57 = arith.constant 16 : i32
    %barrier3A_58 = arith.constant 0 : index
    tpu.barrier barrier_id(%barrier3A_58)
    "tpu.region"() ({
      %run_scoped3A_63 = tpu.sem_alloc : memref<!tpu.dma_semaphore, #tpu.memory_space<semaphore_mem>>
      %dma_start3A_64 = arith.constant 0 : i32
      %dma_start3A_65 = tpu.memref_slice %arg7[%arg0, %mul3A_0, %dma_start3A_64] : memref<2x10240x128xf32, #tpu.memory_space<hbm>> -> memref<1x640x128xf32, #tpu.memory_space<hbm>>
      %dma_start3A_66 = tpu.memref_squeeze %dma_start3A_65 : memref<1x640x128xf32, #tpu.memory_space<hbm>> -> memref<640x128xf32, #tpu.memory_space<hbm>>
      %dma_start3A_67 = arith.constant 0 : i32
      %dma_start3A_68 = tpu.memref_slice %arg13[%mul3A_0, %dma_start3A_67] : memref<10240x128xf32, #tpu.memory_space<vmem_shared>> -> memref<640x128xf32, #tpu.memory_space<vmem_shared>>
      tpu.enqueue_dma source(%dma_start3A_68 : memref<640x128xf32, #tpu.memory_space<vmem_shared>>) target(%dma_start3A_66 : memref<640x128xf32, #tpu.memory_space<hbm>>) target_semaphore(%run_scoped3A_63 : memref<!tpu.dma_semaphore, #tpu.memory_space<semaphore_mem>>)
      %dma_wait3A = arith.constant 0 : i32
      %dma_wait3A_69 = tpu.memref_slice %arg7[%arg0, %mul3A_0, %dma_wait3A] : memref<2x10240x128xf32, #tpu.memory_space<hbm>> -> memref<1x640x128xf32, #tpu.memory_space<hbm>>
      %dma_wait3A_70 = tpu.memref_squeeze %dma_wait3A_69 : memref<1x640x128xf32, #tpu.memory_space<hbm>> -> memref<640x128xf32, #tpu.memory_space<hbm>>
      %dma_wait3A_71 = arith.constant 0 : i32
      %dma_wait3A_72 = tpu.memref_slice %arg13[%mul3A_0, %dma_wait3A_71] : memref<10240x128xf32, #tpu.memory_space<vmem_shared>> -> memref<640x128xf32, #tpu.memory_space<vmem_shared>>
      tpu.wait_dma2 semaphore(%run_scoped3A_63 : memref<!tpu.dma_semaphore, #tpu.memory_space<semaphore_mem>>) src(%dma_wait3A_72 : memref<640x128xf32, #tpu.memory_space<vmem_shared>>) dst(%dma_wait3A_70 : memref<640x128xf32, #tpu.memory_space<hbm>>)
      tpu.yield
    }) : () -> ()
    %eq3A = arith.constant 0 : i32
    %eq3A_59 = arith.cmpi eq, %arg0, %eq3A : i32
    %eq3A_60 = arith.constant 0 : i32
    %eq3A_61 = arith.cmpi eq, %arg1, %eq3A_60 : i32
    %and3A = arith.andi %eq3A_59, %eq3A_61 : i1
    %convert_element_type3A = arith.extui %and3A : i1 to i32
    %cond3A = arith.constant 0 : i32
    %cond3A_62 = arith.cmpi ne, %convert_element_type3A, %cond3A : i32
    scf.if %cond3A_62 {
      "tpu.region"() ({
        %run_scoped3A_63 = tpu.sem_alloc : memref<!tpu.dma_semaphore, #tpu.memory_space<semaphore_mem>>
        %dma_start3A_64 = arith.constant 0 : i32
        %dma_start3A_65 = tpu.memref_slice %arg8[%dma_start3A_64] : memref<10240xf32, #tpu.memory_space<hbm>> -> memref<640xf32, #tpu.memory_space<hbm>>
        tpu.enqueue_dma source(%arg6 : memref<640xf32, #tpu.memory_space<hbm>>) target(%dma_start3A_65 : memref<640xf32, #tpu.memory_space<hbm>>) target_semaphore(%run_scoped3A_63 : memref<!tpu.dma_semaphore, #tpu.memory_space<semaphore_mem>>)
        %dma_wait3A = arith.constant 0 : i32
        %dma_wait3A_66 = tpu.memref_slice %arg8[%dma_wait3A] : memref<10240xf32, #tpu.memory_space<hbm>> -> memref<640xf32, #tpu.memory_space<hbm>>
        tpu.wait_dma2 semaphore(%run_scoped3A_63 : memref<!tpu.dma_semaphore, #tpu.memory_space<semaphore_mem>>) src(%arg6 : memref<640xf32, #tpu.memory_space<hbm>>) dst(%dma_wait3A_66 : memref<640xf32, #tpu.memory_space<hbm>>)
        tpu.yield
      }) : () -> ()
    } else {
    }
    return
  }
}

#map = affine_map<(d0, d1) -> (0, 0)>
#map1 = affine_map<(d0, d1) -> (0, 0, 0, 0)>
#map2 = affine_map<(d0, d1) -> (0, 0, 0)>
#map3 = affine_map<(d0, d1) -> (0)>
module attributes {stable_mosaic.version = 14 : i64} {
  func.func @body(%arg0: i32, %arg1: i32, %arg2: memref<20000x128xf32, #tpu.memory_space<hbm>>, %arg3: memref<2x16x128x80xi32, #tpu.memory_space<hbm>>, %arg4: memref<16x128x80xi32, #tpu.memory_space<hbm>>, %arg5: memref<640x128xf32, #tpu.memory_space<hbm>>, %arg6: memref<640xf32, #tpu.memory_space<hbm>>, %arg7: memref<2x10240x128xf32, #tpu.memory_space<hbm>>, %arg8: memref<10240xf32, #tpu.memory_space<hbm>>, %arg9: memref<2x8x80xi32, #tpu.memory_space<vmem>>, %arg10: memref<2x8x80xi32, #tpu.memory_space<vmem>>, %arg11: memref<4x80x128xf32, #tpu.memory_space<vmem>>, %arg12: memref<80xf32, #tpu.memory_space<vmem>>, %arg13: memref<10240x128xf32, #tpu.memory_space<vmem_shared>>, %arg14: memref<10240xf32, #tpu.memory_space<vmem_shared>>, %arg15: memref<!tpu.dma_semaphore, #tpu.memory_space<semaphore_mem>>, %arg16: memref<!tpu.dma_semaphore, #tpu.memory_space<semaphore_mem>>, %arg17: memref<!tpu.dma_semaphore, #tpu.memory_space<semaphore_mem>>, %arg18: memref<!tpu.dma_semaphore, #tpu.memory_space<semaphore_mem>>, %arg19: memref<!tpu.dma_semaphore, #tpu.memory_space<semaphore_mem>>, %arg20: memref<!tpu.dma_semaphore, #tpu.memory_space<semaphore_mem>>, %arg21: memref<!tpu.dma_semaphore, #tpu.memory_space<semaphore_mem>>, %arg22: memref<!tpu.dma_semaphore, #tpu.memory_space<semaphore_mem>>, %arg23: memref<!tpu.dma_semaphore, #tpu.memory_space<semaphore_mem>>, %arg24: memref<!tpu.dma_semaphore, #tpu.memory_space<semaphore_mem>>) attributes {dimension_semantics = [#tpu.dimension_semantics<core_parallel>, #tpu.dimension_semantics<subcore_parallel>], iteration_bounds = array<i64: 2, 16>, scalar_prefetch = 0 : i64, scratch_operands = 16 : i64, tpu.core_type = #tpu.core_type<sc_vector_subcore>, window_params = [{transform_indices = #map}, {transform_indices = #map1}, {transform_indices = #map2}, {transform_indices = #map}, {transform_indices = #map3}, {transform_indices = #map2}, {transform_indices = #map3}]} {
    %mul3A = arith.constant 640 : i32
    %mul3A_0 = arith.muli %arg1, %mul3A : i32
    "tpu.region"() ({
      %run_scoped3A_91 = tpu.sem_alloc : memref<!tpu.dma_semaphore, #tpu.memory_space<semaphore_mem>>
      %dma_start3A_92 = arith.constant 0 : i32
      %dma_start3A_93 = tpu.memref_slice %arg13[%mul3A_0, %dma_start3A_92] : memref<10240x128xf32, #tpu.memory_space<vmem_shared>> -> memref<640x128xf32, #tpu.memory_space<vmem_shared>>
      tpu.enqueue_dma source(%arg5 : memref<640x128xf32, #tpu.memory_space<hbm>>) target(%dma_start3A_93 : memref<640x128xf32, #tpu.memory_space<vmem_shared>>) target_semaphore(%run_scoped3A_91 : memref<!tpu.dma_semaphore, #tpu.memory_space<semaphore_mem>>)
      %dma_wait3A = arith.constant 0 : i32
      %dma_wait3A_94 = tpu.memref_slice %arg13[%mul3A_0, %dma_wait3A] : memref<10240x128xf32, #tpu.memory_space<vmem_shared>> -> memref<640x128xf32, #tpu.memory_space<vmem_shared>>
      tpu.wait_dma2 semaphore(%run_scoped3A_91 : memref<!tpu.dma_semaphore, #tpu.memory_space<semaphore_mem>>) src(%arg5 : memref<640x128xf32, #tpu.memory_space<hbm>>) dst(%dma_wait3A_94 : memref<640x128xf32, #tpu.memory_space<vmem_shared>>)
      tpu.yield
    }) : () -> ()
    "tpu.region"() ({
      %run_scoped3A_91 = tpu.sem_alloc : memref<!tpu.dma_semaphore, #tpu.memory_space<semaphore_mem>>
      %dma_start3A_92 = tpu.memref_slice %arg14[%mul3A_0] : memref<10240xf32, #tpu.memory_space<vmem_shared>> -> memref<640xf32, #tpu.memory_space<vmem_shared>>
      tpu.enqueue_dma source(%arg6 : memref<640xf32, #tpu.memory_space<hbm>>) target(%dma_start3A_92 : memref<640xf32, #tpu.memory_space<vmem_shared>>) target_semaphore(%run_scoped3A_91 : memref<!tpu.dma_semaphore, #tpu.memory_space<semaphore_mem>>)
      %dma_wait3A = tpu.memref_slice %arg14[%mul3A_0] : memref<10240xf32, #tpu.memory_space<vmem_shared>> -> memref<640xf32, #tpu.memory_space<vmem_shared>>
      tpu.wait_dma2 semaphore(%run_scoped3A_91 : memref<!tpu.dma_semaphore, #tpu.memory_space<semaphore_mem>>) src(%arg6 : memref<640xf32, #tpu.memory_space<hbm>>) dst(%dma_wait3A : memref<640xf32, #tpu.memory_space<vmem_shared>>)
      tpu.yield
    }) : () -> ()
    %broadcast_in_dim3A = arith.constant 1.000000e+00 : f32
    %broadcast_in_dim3A_1 = vector.broadcast %broadcast_in_dim3A : f32 to vector<16xf32>
    %swap3A = arith.constant 0 : index
    %swap3A_2 = tpu.vector_load %arg12[%swap3A] {strides = array<i32>} : memref<80xf32, #tpu.memory_space<vmem>>, vector<16xf32>,
    %swap3A_3 = vector.shape_cast %swap3A_2 : vector<16xf32> to vector<16xf32>
    %swap3A_4 = vector.shape_cast %broadcast_in_dim3A_1 : vector<16xf32> to vector<16xf32>
    tpu.vector_store %arg12[%swap3A], %swap3A_4 {strides = array<i32>} : memref<80xf32, #tpu.memory_space<vmem>>, vector<16xf32>,
    %broadcast_in_dim3A_5 = arith.constant 1.000000e+00 : f32
    %broadcast_in_dim3A_6 = vector.broadcast %broadcast_in_dim3A_5 : f32 to vector<16xf32>
    %swap3A_7 = arith.constant 16 : index
    %swap3A_8 = tpu.vector_load %arg12[%swap3A_7] {strides = array<i32>} : memref<80xf32, #tpu.memory_space<vmem>>, vector<16xf32>,
    %swap3A_9 = vector.shape_cast %swap3A_8 : vector<16xf32> to vector<16xf32>
    %swap3A_10 = vector.shape_cast %broadcast_in_dim3A_6 : vector<16xf32> to vector<16xf32>
    tpu.vector_store %arg12[%swap3A_7], %swap3A_10 {strides = array<i32>} : memref<80xf32, #tpu.memory_space<vmem>>, vector<16xf32>,
    %broadcast_in_dim3A_11 = arith.constant 1.000000e+00 : f32
    %broadcast_in_dim3A_12 = vector.broadcast %broadcast_in_dim3A_11 : f32 to vector<16xf32>
    %swap3A_13 = arith.constant 32 : index
    %swap3A_14 = tpu.vector_load %arg12[%swap3A_13] {strides = array<i32>} : memref<80xf32, #tpu.memory_space<vmem>>, vector<16xf32>,
    %swap3A_15 = vector.shape_cast %swap3A_14 : vector<16xf32> to vector<16xf32>
    %swap3A_16 = vector.shape_cast %broadcast_in_dim3A_12 : vector<16xf32> to vector<16xf32>
    tpu.vector_store %arg12[%swap3A_13], %swap3A_16 {strides = array<i32>} : memref<80xf32, #tpu.memory_space<vmem>>, vector<16xf32>,
    %broadcast_in_dim3A_17 = arith.constant 1.000000e+00 : f32
    %broadcast_in_dim3A_18 = vector.broadcast %broadcast_in_dim3A_17 : f32 to vector<16xf32>
    %swap3A_19 = arith.constant 48 : index
    %swap3A_20 = tpu.vector_load %arg12[%swap3A_19] {strides = array<i32>} : memref<80xf32, #tpu.memory_space<vmem>>, vector<16xf32>,
    %swap3A_21 = vector.shape_cast %swap3A_20 : vector<16xf32> to vector<16xf32>
    %swap3A_22 = vector.shape_cast %broadcast_in_dim3A_18 : vector<16xf32> to vector<16xf32>
    tpu.vector_store %arg12[%swap3A_19], %swap3A_22 {strides = array<i32>} : memref<80xf32, #tpu.memory_space<vmem>>, vector<16xf32>,
    %broadcast_in_dim3A_23 = arith.constant 1.000000e+00 : f32
    %broadcast_in_dim3A_24 = vector.broadcast %broadcast_in_dim3A_23 : f32 to vector<16xf32>
    %swap3A_25 = arith.constant 64 : index
    %swap3A_26 = tpu.vector_load %arg12[%swap3A_25] {strides = array<i32>} : memref<80xf32, #tpu.memory_space<vmem>>, vector<16xf32>,
    %swap3A_27 = vector.shape_cast %swap3A_26 : vector<16xf32> to vector<16xf32>
    %swap3A_28 = vector.shape_cast %broadcast_in_dim3A_24 : vector<16xf32> to vector<16xf32>
    tpu.vector_store %arg12[%swap3A_25], %swap3A_28 {strides = array<i32>} : memref<80xf32, #tpu.memory_space<vmem>>, vector<16xf32>,
    %run_scoped3A = arith.constant 0 : i32
    "tpu.region"() ({
      %run_scoped3A_91 = tpu.sem_alloc : memref<!tpu.dma_semaphore, #tpu.memory_space<semaphore_mem>>
      %dma_start3A_92 = arith.constant 0 : i32
      %dma_start3A_93 = arith.constant 0 : i32
      %dma_start3A_94 = tpu.memref_slice %arg9[%run_scoped3A, %dma_start3A_92, %dma_start3A_93] : memref<2x8x80xi32, #tpu.memory_space<vmem>> -> memref<1x8x80xi32, #tpu.memory_space<vmem>>
      %dma_start3A_95 = tpu.memref_squeeze %dma_start3A_94 : memref<1x8x80xi32, #tpu.memory_space<vmem>> -> memref<8x80xi32, #tpu.memory_space<vmem>>
      %dma_start3A_96 = arith.constant 0 : i32
      %dma_start3A_97 = arith.constant 0 : i32
      %dma_start3A_98 = tpu.memref_slice %arg3[%arg0, %arg1, %dma_start3A_96, %dma_start3A_97] : memref<2x16x128x80xi32, #tpu.memory_space<hbm>> -> memref<1x1x8x80xi32, #tpu.memory_space<hbm>>
      %dma_start3A_99 = tpu.memref_squeeze %dma_start3A_98 : memref<1x1x8x80xi32, #tpu.memory_space<hbm>> -> memref<8x80xi32, #tpu.memory_space<hbm>>
      %dma_start3A_100 = arith.constant 0 : i32
      %dma_start3A_101 = arith.constant 0 : i32
      %dma_start3A_102 = tpu.memref_slice %arg9[%run_scoped3A, %dma_start3A_100, %dma_start3A_101] : memref<2x8x80xi32, #tpu.memory_space<vmem>> -> memref<1x8x80xi32, #tpu.memory_space<vmem>>
      %dma_start3A_103 = tpu.memref_squeeze %dma_start3A_102 : memref<1x8x80xi32, #tpu.memory_space<vmem>> -> memref<8x80xi32, #tpu.memory_space<vmem>>
      %dma_start3A_104 = arith.constant 0 : i32
      %dma_start3A_105 = arith.constant 0 : i32
      %dma_start3A_106 = tpu.memref_slice %arg3[%arg0, %arg1, %dma_start3A_104, %dma_start3A_105] : memref<2x16x128x80xi32, #tpu.memory_space<hbm>> -> memref<1x1x8x80xi32, #tpu.memory_space<hbm>>
      %dma_start3A_107 = tpu.memref_squeeze %dma_start3A_106 : memref<1x1x8x80xi32, #tpu.memory_space<hbm>> -> memref<8x80xi32, #tpu.memory_space<hbm>>
      tpu.enqueue_dma source(%dma_start3A_107 : memref<8x80xi32, #tpu.memory_space<hbm>>) target(%dma_start3A_103 : memref<8x80xi32, #tpu.memory_space<vmem>>) target_semaphore(%run_scoped3A_91 : memref<!tpu.dma_semaphore, #tpu.memory_space<semaphore_mem>>)
      %dma_wait3A = arith.constant 0 : i32
      %dma_wait3A_108 = arith.constant 0 : i32
      %dma_wait3A_109 = tpu.memref_slice %arg9[%run_scoped3A, %dma_wait3A, %dma_wait3A_108] : memref<2x8x80xi32, #tpu.memory_space<vmem>> -> memref<1x8x80xi32, #tpu.memory_space<vmem>>
      %dma_wait3A_110 = tpu.memref_squeeze %dma_wait3A_109 : memref<1x8x80xi32, #tpu.memory_space<vmem>> -> memref<8x80xi32, #tpu.memory_space<vmem>>
      %dma_wait3A_111 = arith.constant 0 : i32
      %dma_wait3A_112 = arith.constant 0 : i32
      %dma_wait3A_113 = tpu.memref_slice %arg3[%arg0, %arg1, %dma_wait3A_111, %dma_wait3A_112] : memref<2x16x128x80xi32, #tpu.memory_space<hbm>> -> memref<1x1x8x80xi32, #tpu.memory_space<hbm>>
      %dma_wait3A_114 = tpu.memref_squeeze %dma_wait3A_113 : memref<1x1x8x80xi32, #tpu.memory_space<hbm>> -> memref<8x80xi32, #tpu.memory_space<hbm>>
      %dma_wait3A_115 = arith.constant 0 : i32
      %dma_wait3A_116 = arith.constant 0 : i32
      %dma_wait3A_117 = tpu.memref_slice %arg9[%run_scoped3A, %dma_wait3A_115, %dma_wait3A_116] : memref<2x8x80xi32, #tpu.memory_space<vmem>> -> memref<1x8x80xi32, #tpu.memory_space<vmem>>
      %dma_wait3A_118 = tpu.memref_squeeze %dma_wait3A_117 : memref<1x8x80xi32, #tpu.memory_space<vmem>> -> memref<8x80xi32, #tpu.memory_space<vmem>>
      %dma_wait3A_119 = arith.constant 0 : i32
      %dma_wait3A_120 = arith.constant 0 : i32
      %dma_wait3A_121 = tpu.memref_slice %arg3[%arg0, %arg1, %dma_wait3A_119, %dma_wait3A_120] : memref<2x16x128x80xi32, #tpu.memory_space<hbm>> -> memref<1x1x8x80xi32, #tpu.memory_space<hbm>>
      %dma_wait3A_122 = tpu.memref_squeeze %dma_wait3A_121 : memref<1x1x8x80xi32, #tpu.memory_space<hbm>> -> memref<8x80xi32, #tpu.memory_space<hbm>>
      tpu.wait_dma2 semaphore(%run_scoped3A_91 : memref<!tpu.dma_semaphore, #tpu.memory_space<semaphore_mem>>) src(%dma_wait3A_122 : memref<8x80xi32, #tpu.memory_space<hbm>>) dst(%dma_wait3A_118 : memref<8x80xi32, #tpu.memory_space<vmem>>)
      tpu.yield
    }) : () -> ()
    %run_scoped3A_29 = arith.constant 0 : i32
    "tpu.region"() ({
      %run_scoped3A_91 = tpu.sem_alloc : memref<!tpu.dma_semaphore, #tpu.memory_space<semaphore_mem>>
      %dma_start3A_92 = arith.constant 0 : i32
      %dma_start3A_93 = arith.constant 0 : i32
      %dma_start3A_94 = tpu.memref_slice %arg10[%run_scoped3A_29, %dma_start3A_92, %dma_start3A_93] : memref<2x8x80xi32, #tpu.memory_space<vmem>> -> memref<1x8x80xi32, #tpu.memory_space<vmem>>
      %dma_start3A_95 = tpu.memref_squeeze %dma_start3A_94 : memref<1x8x80xi32, #tpu.memory_space<vmem>> -> memref<8x80xi32, #tpu.memory_space<vmem>>
      %dma_start3A_96 = arith.constant 0 : i32
      %dma_start3A_97 = arith.constant 0 : i32
      %dma_start3A_98 = tpu.memref_slice %arg4[%arg1, %dma_start3A_96, %dma_start3A_97] : memref<16x128x80xi32, #tpu.memory_space<hbm>> -> memref<1x8x80xi32, #tpu.memory_space<hbm>>
      %dma_start3A_99 = tpu.memref_squeeze %dma_start3A_98 : memref<1x8x80xi32, #tpu.memory_space<hbm>> -> memref<8x80xi32, #tpu.memory_space<hbm>>
      %dma_start3A_100 = arith.constant 0 : i32
      %dma_start3A_101 = arith.constant 0 : i32
      %dma_start3A_102 = tpu.memref_slice %arg10[%run_scoped3A_29, %dma_start3A_100, %dma_start3A_101] : memref<2x8x80xi32, #tpu.memory_space<vmem>> -> memref<1x8x80xi32, #tpu.memory_space<vmem>>
      %dma_start3A_103 = tpu.memref_squeeze %dma_start3A_102 : memref<1x8x80xi32, #tpu.memory_space<vmem>> -> memref<8x80xi32, #tpu.memory_space<vmem>>
      %dma_start3A_104 = arith.constant 0 : i32
      %dma_start3A_105 = arith.constant 0 : i32
      %dma_start3A_106 = tpu.memref_slice %arg4[%arg1, %dma_start3A_104, %dma_start3A_105] : memref<16x128x80xi32, #tpu.memory_space<hbm>> -> memref<1x8x80xi32, #tpu.memory_space<hbm>>
      %dma_start3A_107 = tpu.memref_squeeze %dma_start3A_106 : memref<1x8x80xi32, #tpu.memory_space<hbm>> -> memref<8x80xi32, #tpu.memory_space<hbm>>
      tpu.enqueue_dma source(%dma_start3A_107 : memref<8x80xi32, #tpu.memory_space<hbm>>) target(%dma_start3A_103 : memref<8x80xi32, #tpu.memory_space<vmem>>) target_semaphore(%run_scoped3A_91 : memref<!tpu.dma_semaphore, #tpu.memory_space<semaphore_mem>>)
      %dma_wait3A = arith.constant 0 : i32
      %dma_wait3A_108 = arith.constant 0 : i32
      %dma_wait3A_109 = tpu.memref_slice %arg10[%run_scoped3A_29, %dma_wait3A, %dma_wait3A_108] : memref<2x8x80xi32, #tpu.memory_space<vmem>> -> memref<1x8x80xi32, #tpu.memory_space<vmem>>
      %dma_wait3A_110 = tpu.memref_squeeze %dma_wait3A_109 : memref<1x8x80xi32, #tpu.memory_space<vmem>> -> memref<8x80xi32, #tpu.memory_space<vmem>>
      %dma_wait3A_111 = arith.constant 0 : i32
      %dma_wait3A_112 = arith.constant 0 : i32
      %dma_wait3A_113 = tpu.memref_slice %arg4[%arg1, %dma_wait3A_111, %dma_wait3A_112] : memref<16x128x80xi32, #tpu.memory_space<hbm>> -> memref<1x8x80xi32, #tpu.memory_space<hbm>>
      %dma_wait3A_114 = tpu.memref_squeeze %dma_wait3A_113 : memref<1x8x80xi32, #tpu.memory_space<hbm>> -> memref<8x80xi32, #tpu.memory_space<hbm>>
      %dma_wait3A_115 = arith.constant 0 : i32
      %dma_wait3A_116 = arith.constant 0 : i32
      %dma_wait3A_117 = tpu.memref_slice %arg10[%run_scoped3A_29, %dma_wait3A_115, %dma_wait3A_116] : memref<2x8x80xi32, #tpu.memory_space<vmem>> -> memref<1x8x80xi32, #tpu.memory_space<vmem>>
      %dma_wait3A_118 = tpu.memref_squeeze %dma_wait3A_117 : memref<1x8x80xi32, #tpu.memory_space<vmem>> -> memref<8x80xi32, #tpu.memory_space<vmem>>
      %dma_wait3A_119 = arith.constant 0 : i32
      %dma_wait3A_120 = arith.constant 0 : i32
      %dma_wait3A_121 = tpu.memref_slice %arg4[%arg1, %dma_wait3A_119, %dma_wait3A_120] : memref<16x128x80xi32, #tpu.memory_space<hbm>> -> memref<1x8x80xi32, #tpu.memory_space<hbm>>
      %dma_wait3A_122 = tpu.memref_squeeze %dma_wait3A_121 : memref<1x8x80xi32, #tpu.memory_space<hbm>> -> memref<8x80xi32, #tpu.memory_space<hbm>>
      tpu.wait_dma2 semaphore(%run_scoped3A_91 : memref<!tpu.dma_semaphore, #tpu.memory_space<semaphore_mem>>) src(%dma_wait3A_122 : memref<8x80xi32, #tpu.memory_space<hbm>>) dst(%dma_wait3A_118 : memref<8x80xi32, #tpu.memory_space<vmem>>)
      tpu.yield
    }) : () -> ()
    %barrier3A = arith.constant 0 : index
    tpu.barrier barrier_id(%barrier3A)
    %dma_start3A = arith.constant 0 : i32
    %dma_start3A_30 = arith.constant 0 : i32
    %dma_start3A_31 = arith.constant 0 : i32
    %dma_start3A_32 = arith.constant 0 : i32
    %dma_start3A_33 = arith.constant 0 : i32
    %dma_start3A_34 = tpu.memref_slice %arg11[%dma_start3A_31, %dma_start3A_32, %dma_start3A_33] : memref<4x80x128xf32, #tpu.memory_space<vmem>> -> memref<1x80x128xf32, #tpu.memory_space<vmem>>
    %dma_start3A_35 = tpu.memref_squeeze %dma_start3A_34 : memref<1x80x128xf32, #tpu.memory_space<vmem>> -> memref<80x128xf32, #tpu.memory_space<vmem>>
    %dma_start3A_36 = arith.constant 0 : i32
    %dma_start3A_37 = tpu.memref_slice %arg9[%dma_start3A, %dma_start3A_30, %dma_start3A_36] : memref<2x8x80xi32, #tpu.memory_space<vmem>> -> memref<1x1x80xi32, #tpu.memory_space<vmem>>
    %dma_start3A_38 = tpu.memref_squeeze %dma_start3A_37 : memref<1x1x80xi32, #tpu.memory_space<vmem>> -> memref<80xi32, #tpu.memory_space<vmem>>
    %dma_start3A_39 = arith.constant 0 : i32
    %dma_start3A_40 = arith.constant 0 : i32
    %dma_start3A_41 = tpu.memref_slice %arg2[%dma_start3A_39, %dma_start3A_40] : memref<20000x128xf32, #tpu.memory_space<hbm>> -> memref<20000x128xf32, #tpu.memory_space<hbm>>
    tpu.enqueue_indirect_dma source(%dma_start3A_41 : memref<20000x128xf32, #tpu.memory_space<hbm>>) target(%dma_start3A_35 : memref<80x128xf32, #tpu.memory_space<vmem>>) offsets(%dma_start3A_38 : memref<80xi32, #tpu.memory_space<vmem>>) semaphore(%arg15 : memref<!tpu.dma_semaphore, #tpu.memory_space<semaphore_mem>>)
    %dma_start3A_42 = arith.constant 0 : i32
    %dma_start3A_43 = arith.constant 1 : i32
    %dma_start3A_44 = arith.constant 1 : i32
    %dma_start3A_45 = arith.constant 0 : i32
    %dma_start3A_46 = arith.constant 0 : i32
    %dma_start3A_47 = tpu.memref_slice %arg11[%dma_start3A_44, %dma_start3A_45, %dma_start3A_46] : memref<4x80x128xf32, #tpu.memory_space<vmem>> -> memref<1x80x128xf32, #tpu.memory_space<vmem>>
    %dma_start3A_48 = tpu.memref_squeeze %dma_start3A_47 : memref<1x80x128xf32, #tpu.memory_space<vmem>> -> memref<80x128xf32, #tpu.memory_space<vmem>>
    %dma_start3A_49 = arith.constant 0 : i32
    %dma_start3A_50 = tpu.memref_slice %arg9[%dma_start3A_42, %dma_start3A_43, %dma_start3A_49] : memref<2x8x80xi32, #tpu.memory_space<vmem>> -> memref<1x1x80xi32, #tpu.memory_space<vmem>>
    %dma_start3A_51 = tpu.memref_squeeze %dma_start3A_50 : memref<1x1x80xi32, #tpu.memory_space<vmem>> -> memref<80xi32, #tpu.memory_space<vmem>>
    %dma_start3A_52 = arith.constant 0 : i32
    %dma_start3A_53 = arith.constant 0 : i32
    %dma_start3A_54 = tpu.memref_slice %arg2[%dma_start3A_52, %dma_start3A_53] : memref<20000x128xf32, #tpu.memory_space<hbm>> -> memref<20000x128xf32, #tpu.memory_space<hbm>>
    tpu.enqueue_indirect_dma source(%dma_start3A_54 : memref<20000x128xf32, #tpu.memory_space<hbm>>) target(%dma_start3A_48 : memref<80x128xf32, #tpu.memory_space<vmem>>) offsets(%dma_start3A_51 : memref<80xi32, #tpu.memory_space<vmem>>) semaphore(%arg16 : memref<!tpu.dma_semaphore, #tpu.memory_space<semaphore_mem>>)
    %dma_start3A_55 = arith.constant 0 : i32
    %dma_start3A_56 = arith.constant 2 : i32
    %dma_start3A_57 = arith.constant 2 : i32
    %dma_start3A_58 = arith.constant 0 : i32
    %dma_start3A_59 = arith.constant 0 : i32
    %dma_start3A_60 = tpu.memref_slice %arg11[%dma_start3A_57, %dma_start3A_58, %dma_start3A_59] : memref<4x80x128xf32, #tpu.memory_space<vmem>> -> memref<1x80x128xf32, #tpu.memory_space<vmem>>
    %dma_start3A_61 = tpu.memref_squeeze %dma_start3A_60 : memref<1x80x128xf32, #tpu.memory_space<vmem>> -> memref<80x128xf32, #tpu.memory_space<vmem>>
    %dma_start3A_62 = arith.constant 0 : i32
    %dma_start3A_63 = tpu.memref_slice %arg9[%dma_start3A_55, %dma_start3A_56, %dma_start3A_62] : memref<2x8x80xi32, #tpu.memory_space<vmem>> -> memref<1x1x80xi32, #tpu.memory_space<vmem>>
    %dma_start3A_64 = tpu.memref_squeeze %dma_start3A_63 : memref<1x1x80xi32, #tpu.memory_space<vmem>> -> memref<80xi32, #tpu.memory_space<vmem>>
    %dma_start3A_65 = arith.constant 0 : i32
    %dma_start3A_66 = arith.constant 0 : i32
    %dma_start3A_67 = tpu.memref_slice %arg2[%dma_start3A_65, %dma_start3A_66] : memref<20000x128xf32, #tpu.memory_space<hbm>> -> memref<20000x128xf32, #tpu.memory_space<hbm>>
    tpu.enqueue_indirect_dma source(%dma_start3A_67 : memref<20000x128xf32, #tpu.memory_space<hbm>>) target(%dma_start3A_61 : memref<80x128xf32, #tpu.memory_space<vmem>>) offsets(%dma_start3A_64 : memref<80xi32, #tpu.memory_space<vmem>>) semaphore(%arg17 : memref<!tpu.dma_semaphore, #tpu.memory_space<semaphore_mem>>)
    %dma_start3A_68 = arith.constant 0 : i32
    %dma_start3A_69 = arith.constant 3 : i32
    %dma_start3A_70 = arith.constant 3 : i32
    %dma_start3A_71 = arith.constant 0 : i32
    %dma_start3A_72 = arith.constant 0 : i32
    %dma_start3A_73 = tpu.memref_slice %arg11[%dma_start3A_70, %dma_start3A_71, %dma_start3A_72] : memref<4x80x128xf32, #tpu.memory_space<vmem>> -> memref<1x80x128xf32, #tpu.memory_space<vmem>>
    %dma_start3A_74 = tpu.memref_squeeze %dma_start3A_73 : memref<1x80x128xf32, #tpu.memory_space<vmem>> -> memref<80x128xf32, #tpu.memory_space<vmem>>
    %dma_start3A_75 = arith.constant 0 : i32
    %dma_start3A_76 = tpu.memref_slice %arg9[%dma_start3A_68, %dma_start3A_69, %dma_start3A_75] : memref<2x8x80xi32, #tpu.memory_space<vmem>> -> memref<1x1x80xi32, #tpu.memory_space<vmem>>
    %dma_start3A_77 = tpu.memref_squeeze %dma_start3A_76 : memref<1x1x80xi32, #tpu.memory_space<vmem>> -> memref<80xi32, #tpu.memory_space<vmem>>
    %dma_start3A_78 = arith.constant 0 : i32
    %dma_start3A_79 = arith.constant 0 : i32
    %dma_start3A_80 = tpu.memref_slice %arg2[%dma_start3A_78, %dma_start3A_79] : memref<20000x128xf32, #tpu.memory_space<hbm>> -> memref<20000x128xf32, #tpu.memory_space<hbm>>
    tpu.enqueue_indirect_dma source(%dma_start3A_80 : memref<20000x128xf32, #tpu.memory_space<hbm>>) target(%dma_start3A_74 : memref<80x128xf32, #tpu.memory_space<vmem>>) offsets(%dma_start3A_77 : memref<80xi32, #tpu.memory_space<vmem>>) semaphore(%arg18 : memref<!tpu.dma_semaphore, #tpu.memory_space<semaphore_mem>>)
    %scan3A = arith.constant 0 : i32
    %scan3A_81 = arith.constant 0 : i32
    %scan3A_82 = arith.constant 16 : i32
    %scan3A_83 = arith.addi %scan3A_81, %scan3A_82 : i32
    %scan3A_84 = arith.constant 1 : i32
    scf.for %scan3A_91 = %scan3A_81 to %scan3A_83 step %scan3A_84  : i32 {
      %rem3A = arith.constant 2 : i32
      %rem3A_92 = arith.remsi %scan3A_91, %rem3A : i32
      %sub3A = arith.constant 1 : i32
      %sub3A_93 = arith.subi %sub3A, %rem3A_92 : i32
      %dma_start3A_94 = arith.constant 4 : i32
      %dma_start3A_95 = arith.constant 0 : i32
      %dma_start3A_96 = arith.constant 0 : i32
      %dma_start3A_97 = arith.constant 0 : i32
      %dma_start3A_98 = tpu.memref_slice %arg11[%dma_start3A_95, %dma_start3A_96, %dma_start3A_97] : memref<4x80x128xf32, #tpu.memory_space<vmem>> -> memref<1x80x128xf32, #tpu.memory_space<vmem>>
      %dma_start3A_99 = tpu.memref_squeeze %dma_start3A_98 : memref<1x80x128xf32, #tpu.memory_space<vmem>> -> memref<80x128xf32, #tpu.memory_space<vmem>>
      %dma_start3A_100 = arith.constant 0 : i32
      %dma_start3A_101 = tpu.memref_slice %arg9[%rem3A_92, %dma_start3A_94, %dma_start3A_100] : memref<2x8x80xi32, #tpu.memory_space<vmem>> -> memref<1x1x80xi32, #tpu.memory_space<vmem>>
      %dma_start3A_102 = tpu.memref_squeeze %dma_start3A_101 : memref<1x1x80xi32, #tpu.memory_space<vmem>> -> memref<80xi32, #tpu.memory_space<vmem>>
      %dma_start3A_103 = arith.constant 0 : i32
      %dma_start3A_104 = arith.constant 0 : i32
      %dma_start3A_105 = tpu.memref_slice %arg2[%dma_start3A_103, %dma_start3A_104] : memref<20000x128xf32, #tpu.memory_space<hbm>> -> memref<20000x128xf32, #tpu.memory_space<hbm>>
      tpu.enqueue_indirect_dma source(%dma_start3A_105 : memref<20000x128xf32, #tpu.memory_space<hbm>>) target(%dma_start3A_99 : memref<80x128xf32, #tpu.memory_space<vmem>>) offsets(%dma_start3A_102 : memref<80xi32, #tpu.memory_space<vmem>>) semaphore(%arg15 : memref<!tpu.dma_semaphore, #tpu.memory_space<semaphore_mem>>)
      %dma_wait3A = arith.constant 0 : i32
      %dma_wait3A_106 = arith.constant 0 : i32
      %dma_wait3A_107 = arith.constant 0 : i32
      %dma_wait3A_108 = arith.constant 0 : i32
      %dma_wait3A_109 = tpu.memref_slice %arg11[%dma_wait3A_106, %dma_wait3A_107, %dma_wait3A_108] : memref<4x80x128xf32, #tpu.memory_space<vmem>> -> memref<1x80x128xf32, #tpu.memory_space<vmem>>
      %dma_wait3A_110 = tpu.memref_squeeze %dma_wait3A_109 : memref<1x80x128xf32, #tpu.memory_space<vmem>> -> memref<80x128xf32, #tpu.memory_space<vmem>>
      %dma_wait3A_111 = arith.constant 0 : i32
      %dma_wait3A_112 = tpu.memref_slice %arg9[%rem3A_92, %dma_wait3A, %dma_wait3A_111] : memref<2x8x80xi32, #tpu.memory_space<vmem>> -> memref<1x1x80xi32, #tpu.memory_space<vmem>>
      %dma_wait3A_113 = tpu.memref_squeeze %dma_wait3A_112 : memref<1x1x80xi32, #tpu.memory_space<vmem>> -> memref<80xi32, #tpu.memory_space<vmem>>
      %dma_wait3A_114 = arith.constant 0 : i32
      %dma_wait3A_115 = arith.constant 0 : i32
      %dma_wait3A_116 = tpu.memref_slice %arg2[%dma_wait3A_114, %dma_wait3A_115] : memref<20000x128xf32, #tpu.memory_space<hbm>> -> memref<20000x128xf32, #tpu.memory_space<hbm>>
      tpu.wait_indirect_dma semaphore(%arg15 : memref<!tpu.dma_semaphore, #tpu.memory_space<semaphore_mem>>) src(%dma_wait3A_116 : memref<20000x128xf32, #tpu.memory_space<hbm>>) dst(%dma_wait3A_110 : memref<80x128xf32, #tpu.memory_space<vmem>>)
      %dma_start3A_117 = arith.constant 5 : i32
      %dma_start3A_118 = arith.constant 1 : i32
      %dma_start3A_119 = arith.constant 0 : i32
      %dma_start3A_120 = arith.constant 0 : i32
      %dma_start3A_121 = tpu.memref_slice %arg11[%dma_start3A_118, %dma_start3A_119, %dma_start3A_120] : memref<4x80x128xf32, #tpu.memory_space<vmem>> -> memref<1x80x128xf32, #tpu.memory_space<vmem>>
      %dma_start3A_122 = tpu.memref_squeeze %dma_start3A_121 : memref<1x80x128xf32, #tpu.memory_space<vmem>> -> memref<80x128xf32, #tpu.memory_space<vmem>>
      %dma_start3A_123 = arith.constant 0 : i32
      %dma_start3A_124 = tpu.memref_slice %arg9[%rem3A_92, %dma_start3A_117, %dma_start3A_123] : memref<2x8x80xi32, #tpu.memory_space<vmem>> -> memref<1x1x80xi32, #tpu.memory_space<vmem>>
      %dma_start3A_125 = tpu.memref_squeeze %dma_start3A_124 : memref<1x1x80xi32, #tpu.memory_space<vmem>> -> memref<80xi32, #tpu.memory_space<vmem>>
      %dma_start3A_126 = arith.constant 0 : i32
      %dma_start3A_127 = arith.constant 0 : i32
      %dma_start3A_128 = tpu.memref_slice %arg2[%dma_start3A_126, %dma_start3A_127] : memref<20000x128xf32, #tpu.memory_space<hbm>> -> memref<20000x128xf32, #tpu.memory_space<hbm>>
      tpu.enqueue_indirect_dma source(%dma_start3A_128 : memref<20000x128xf32, #tpu.memory_space<hbm>>) target(%dma_start3A_122 : memref<80x128xf32, #tpu.memory_space<vmem>>) offsets(%dma_start3A_125 : memref<80xi32, #tpu.memory_space<vmem>>) semaphore(%arg16 : memref<!tpu.dma_semaphore, #tpu.memory_space<semaphore_mem>>)
      %dma_wait3A_129 = arith.constant 1 : i32
      %dma_wait3A_130 = arith.constant 1 : i32
      %dma_wait3A_131 = arith.constant 0 : i32
      %dma_wait3A_132 = arith.constant 0 : i32
      %dma_wait3A_133 = tpu.memref_slice %arg11[%dma_wait3A_130, %dma_wait3A_131, %dma_wait3A_132] : memref<4x80x128xf32, #tpu.memory_space<vmem>> -> memref<1x80x128xf32, #tpu.memory_space<vmem>>
      %dma_wait3A_134 = tpu.memref_squeeze %dma_wait3A_133 : memref<1x80x128xf32, #tpu.memory_space<vmem>> -> memref<80x128xf32, #tpu.memory_space<vmem>>
      %dma_wait3A_135 = arith.constant 0 : i32
      %dma_wait3A_136 = tpu.memref_slice %arg9[%rem3A_92, %dma_wait3A_129, %dma_wait3A_135] : memref<2x8x80xi32, #tpu.memory_space<vmem>> -> memref<1x1x80xi32, #tpu.memory_space<vmem>>
      %dma_wait3A_137 = tpu.memref_squeeze %dma_wait3A_136 : memref<1x1x80xi32, #tpu.memory_space<vmem>> -> memref<80xi32, #tpu.memory_space<vmem>>
      %dma_wait3A_138 = arith.constant 0 : i32
      %dma_wait3A_139 = arith.constant 0 : i32
      %dma_wait3A_140 = tpu.memref_slice %arg2[%dma_wait3A_138, %dma_wait3A_139] : memref<20000x128xf32, #tpu.memory_space<hbm>> -> memref<20000x128xf32, #tpu.memory_space<hbm>>
      tpu.wait_indirect_dma semaphore(%arg16 : memref<!tpu.dma_semaphore, #tpu.memory_space<semaphore_mem>>) src(%dma_wait3A_140 : memref<20000x128xf32, #tpu.memory_space<hbm>>) dst(%dma_wait3A_134 : memref<80x128xf32, #tpu.memory_space<vmem>>)
      %dma_start3A_141 = arith.constant 6 : i32
      %dma_start3A_142 = arith.constant 2 : i32
      %dma_start3A_143 = arith.constant 0 : i32
      %dma_start3A_144 = arith.constant 0 : i32
      %dma_start3A_145 = tpu.memref_slice %arg11[%dma_start3A_142, %dma_start3A_143, %dma_start3A_144] : memref<4x80x128xf32, #tpu.memory_space<vmem>> -> memref<1x80x128xf32, #tpu.memory_space<vmem>>
      %dma_start3A_146 = tpu.memref_squeeze %dma_start3A_145 : memref<1x80x128xf32, #tpu.memory_space<vmem>> -> memref<80x128xf32, #tpu.memory_space<vmem>>
      %dma_start3A_147 = arith.constant 0 : i32
      %dma_start3A_148 = tpu.memref_slice %arg9[%rem3A_92, %dma_start3A_141, %dma_start3A_147] : memref<2x8x80xi32, #tpu.memory_space<vmem>> -> memref<1x1x80xi32, #tpu.memory_space<vmem>>
      %dma_start3A_149 = tpu.memref_squeeze %dma_start3A_148 : memref<1x1x80xi32, #tpu.memory_space<vmem>> -> memref<80xi32, #tpu.memory_space<vmem>>
      %dma_start3A_150 = arith.constant 0 : i32
      %dma_start3A_151 = arith.constant 0 : i32
      %dma_start3A_152 = tpu.memref_slice %arg2[%dma_start3A_150, %dma_start3A_151] : memref<20000x128xf32, #tpu.memory_space<hbm>> -> memref<20000x128xf32, #tpu.memory_space<hbm>>
      tpu.enqueue_indirect_dma source(%dma_start3A_152 : memref<20000x128xf32, #tpu.memory_space<hbm>>) target(%dma_start3A_146 : memref<80x128xf32, #tpu.memory_space<vmem>>) offsets(%dma_start3A_149 : memref<80xi32, #tpu.memory_space<vmem>>) semaphore(%arg17 : memref<!tpu.dma_semaphore, #tpu.memory_space<semaphore_mem>>)
      %dma_wait3A_153 = arith.constant 2 : i32
      %dma_wait3A_154 = arith.constant 2 : i32
      %dma_wait3A_155 = arith.constant 0 : i32
      %dma_wait3A_156 = arith.constant 0 : i32
      %dma_wait3A_157 = tpu.memref_slice %arg11[%dma_wait3A_154, %dma_wait3A_155, %dma_wait3A_156] : memref<4x80x128xf32, #tpu.memory_space<vmem>> -> memref<1x80x128xf32, #tpu.memory_space<vmem>>
      %dma_wait3A_158 = tpu.memref_squeeze %dma_wait3A_157 : memref<1x80x128xf32, #tpu.memory_space<vmem>> -> memref<80x128xf32, #tpu.memory_space<vmem>>
      %dma_wait3A_159 = arith.constant 0 : i32
      %dma_wait3A_160 = tpu.memref_slice %arg9[%rem3A_92, %dma_wait3A_153, %dma_wait3A_159] : memref<2x8x80xi32, #tpu.memory_space<vmem>> -> memref<1x1x80xi32, #tpu.memory_space<vmem>>
      %dma_wait3A_161 = tpu.memref_squeeze %dma_wait3A_160 : memref<1x1x80xi32, #tpu.memory_space<vmem>> -> memref<80xi32, #tpu.memory_space<vmem>>
      %dma_wait3A_162 = arith.constant 0 : i32
      %dma_wait3A_163 = arith.constant 0 : i32
      %dma_wait3A_164 = tpu.memref_slice %arg2[%dma_wait3A_162, %dma_wait3A_163] : memref<20000x128xf32, #tpu.memory_space<hbm>> -> memref<20000x128xf32, #tpu.memory_space<hbm>>
      tpu.wait_indirect_dma semaphore(%arg17 : memref<!tpu.dma_semaphore, #tpu.memory_space<semaphore_mem>>) src(%dma_wait3A_164 : memref<20000x128xf32, #tpu.memory_space<hbm>>) dst(%dma_wait3A_158 : memref<80x128xf32, #tpu.memory_space<vmem>>)
      %dma_start3A_165 = arith.constant 7 : i32
      %dma_start3A_166 = arith.constant 3 : i32
      %dma_start3A_167 = arith.constant 0 : i32
      %dma_start3A_168 = arith.constant 0 : i32
      %dma_start3A_169 = tpu.memref_slice %arg11[%dma_start3A_166, %dma_start3A_167, %dma_start3A_168] : memref<4x80x128xf32, #tpu.memory_space<vmem>> -> memref<1x80x128xf32, #tpu.memory_space<vmem>>
      %dma_start3A_170 = tpu.memref_squeeze %dma_start3A_169 : memref<1x80x128xf32, #tpu.memory_space<vmem>> -> memref<80x128xf32, #tpu.memory_space<vmem>>
      %dma_start3A_171 = arith.constant 0 : i32
      %dma_start3A_172 = tpu.memref_slice %arg9[%rem3A_92, %dma_start3A_165, %dma_start3A_171] : memref<2x8x80xi32, #tpu.memory_space<vmem>> -> memref<1x1x80xi32, #tpu.memory_space<vmem>>
      %dma_start3A_173 = tpu.memref_squeeze %dma_start3A_172 : memref<1x1x80xi32, #tpu.memory_space<vmem>> -> memref<80xi32, #tpu.memory_space<vmem>>
      %dma_start3A_174 = arith.constant 0 : i32
      %dma_start3A_175 = arith.constant 0 : i32
      %dma_start3A_176 = tpu.memref_slice %arg2[%dma_start3A_174, %dma_start3A_175] : memref<20000x128xf32, #tpu.memory_space<hbm>> -> memref<20000x128xf32, #tpu.memory_space<hbm>>
      tpu.enqueue_indirect_dma source(%dma_start3A_176 : memref<20000x128xf32, #tpu.memory_space<hbm>>) target(%dma_start3A_170 : memref<80x128xf32, #tpu.memory_space<vmem>>) offsets(%dma_start3A_173 : memref<80xi32, #tpu.memory_space<vmem>>) semaphore(%arg18 : memref<!tpu.dma_semaphore, #tpu.memory_space<semaphore_mem>>)
      %dma_wait3A_177 = arith.constant 3 : i32
      %dma_wait3A_178 = arith.constant 3 : i32
      %dma_wait3A_179 = arith.constant 0 : i32
      %dma_wait3A_180 = arith.constant 0 : i32
      %dma_wait3A_181 = tpu.memref_slice %arg11[%dma_wait3A_178, %dma_wait3A_179, %dma_wait3A_180] : memref<4x80x128xf32, #tpu.memory_space<vmem>> -> memref<1x80x128xf32, #tpu.memory_space<vmem>>
      %dma_wait3A_182 = tpu.memref_squeeze %dma_wait3A_181 : memref<1x80x128xf32, #tpu.memory_space<vmem>> -> memref<80x128xf32, #tpu.memory_space<vmem>>
      %dma_wait3A_183 = arith.constant 0 : i32
      %dma_wait3A_184 = tpu.memref_slice %arg9[%rem3A_92, %dma_wait3A_177, %dma_wait3A_183] : memref<2x8x80xi32, #tpu.memory_space<vmem>> -> memref<1x1x80xi32, #tpu.memory_space<vmem>>
      %dma_wait3A_185 = tpu.memref_squeeze %dma_wait3A_184 : memref<1x1x80xi32, #tpu.memory_space<vmem>> -> memref<80xi32, #tpu.memory_space<vmem>>
      %dma_wait3A_186 = arith.constant 0 : i32
      %dma_wait3A_187 = arith.constant 0 : i32
      %dma_wait3A_188 = tpu.memref_slice %arg2[%dma_wait3A_186, %dma_wait3A_187] : memref<20000x128xf32, #tpu.memory_space<hbm>> -> memref<20000x128xf32, #tpu.memory_space<hbm>>
      tpu.wait_indirect_dma semaphore(%arg18 : memref<!tpu.dma_semaphore, #tpu.memory_space<semaphore_mem>>) src(%dma_wait3A_188 : memref<20000x128xf32, #tpu.memory_space<hbm>>) dst(%dma_wait3A_182 : memref<80x128xf32, #tpu.memory_space<vmem>>)
      %add3A = arith.constant 1 : i32
      %add3A_189 = arith.addi %scan3A_91, %add3A : i32
      %lt3A = arith.constant 16 : i32
      %lt3A_190 = arith.cmpi slt, %add3A_189, %lt3A : i32
      %convert_element_type3A_191 = arith.extui %lt3A_190 : i1 to i32
      %cond3A_192 = arith.constant 0 : i32
      %cond3A_193 = arith.cmpi ne, %convert_element_type3A_191, %cond3A_192 : i32
      scf.if %cond3A_193 {
        %add3A_270 = arith.constant 1 : i32
        %add3A_271 = arith.addi %scan3A_91, %add3A_270 : i32
        %mul3A_272 = arith.constant 8 : i32
        %mul3A_273 = arith.muli %add3A_271, %mul3A_272 : i32
        %dma_start3A_274 = arith.constant 0 : i32
        %dma_start3A_275 = arith.constant 0 : i32
        %dma_start3A_276 = tpu.memref_slice %arg9[%sub3A_93, %dma_start3A_274, %dma_start3A_275] : memref<2x8x80xi32, #tpu.memory_space<vmem>> -> memref<1x8x80xi32, #tpu.memory_space<vmem>>
        %dma_start3A_277 = tpu.memref_squeeze %dma_start3A_276 : memref<1x8x80xi32, #tpu.memory_space<vmem>> -> memref<8x80xi32, #tpu.memory_space<vmem>>
        %dma_start3A_278 = arith.constant 0 : i32
        %dma_start3A_279 = tpu.memref_slice %arg3[%arg0, %arg1, %mul3A_273, %dma_start3A_278] : memref<2x16x128x80xi32, #tpu.memory_space<hbm>> -> memref<1x1x8x80xi32, #tpu.memory_space<hbm>>
        %dma_start3A_280 = tpu.memref_squeeze %dma_start3A_279 : memref<1x1x8x80xi32, #tpu.memory_space<hbm>> -> memref<8x80xi32, #tpu.memory_space<hbm>>
        %dma_start3A_281 = arith.constant 0 : i32
        %dma_start3A_282 = arith.constant 0 : i32
        %dma_start3A_283 = tpu.memref_slice %arg9[%sub3A_93, %dma_start3A_281, %dma_start3A_282] : memref<2x8x80xi32, #tpu.memory_space<vmem>> -> memref<1x8x80xi32, #tpu.memory_space<vmem>>
        %dma_start3A_284 = tpu.memref_squeeze %dma_start3A_283 : memref<1x8x80xi32, #tpu.memory_space<vmem>> -> memref<8x80xi32, #tpu.memory_space<vmem>>
        %dma_start3A_285 = arith.constant 0 : i32
        %dma_start3A_286 = tpu.memref_slice %arg3[%arg0, %arg1, %mul3A_273, %dma_start3A_285] : memref<2x16x128x80xi32, #tpu.memory_space<hbm>> -> memref<1x1x8x80xi32, #tpu.memory_space<hbm>>
        %dma_start3A_287 = tpu.memref_squeeze %dma_start3A_286 : memref<1x1x8x80xi32, #tpu.memory_space<hbm>> -> memref<8x80xi32, #tpu.memory_space<hbm>>
        tpu.enqueue_dma source(%dma_start3A_287 : memref<8x80xi32, #tpu.memory_space<hbm>>) target(%dma_start3A_284 : memref<8x80xi32, #tpu.memory_space<vmem>>) target_semaphore(%arg24 : memref<!tpu.dma_semaphore, #tpu.memory_space<semaphore_mem>>)
        %add3A_288 = arith.constant 1 : i32
        %add3A_289 = arith.addi %scan3A_91, %add3A_288 : i32
        %mul3A_290 = arith.constant 8 : i32
        %mul3A_291 = arith.muli %add3A_289, %mul3A_290 : i32
        %dma_start3A_292 = arith.constant 0 : i32
        %dma_start3A_293 = arith.constant 0 : i32
        %dma_start3A_294 = tpu.memref_slice %arg10[%sub3A_93, %dma_start3A_292, %dma_start3A_293] : memref<2x8x80xi32, #tpu.memory_space<vmem>> -> memref<1x8x80xi32, #tpu.memory_space<vmem>>
        %dma_start3A_295 = tpu.memref_squeeze %dma_start3A_294 : memref<1x8x80xi32, #tpu.memory_space<vmem>> -> memref<8x80xi32, #tpu.memory_space<vmem>>
        %dma_start3A_296 = arith.constant 0 : i32
        %dma_start3A_297 = tpu.memref_slice %arg4[%arg1, %mul3A_291, %dma_start3A_296] : memref<16x128x80xi32, #tpu.memory_space<hbm>> -> memref<1x8x80xi32, #tpu.memory_space<hbm>>
        %dma_start3A_298 = tpu.memref_squeeze %dma_start3A_297 : memref<1x8x80xi32, #tpu.memory_space<hbm>> -> memref<8x80xi32, #tpu.memory_space<hbm>>
        %dma_start3A_299 = arith.constant 0 : i32
        %dma_start3A_300 = arith.constant 0 : i32
        %dma_start3A_301 = tpu.memref_slice %arg10[%sub3A_93, %dma_start3A_299, %dma_start3A_300] : memref<2x8x80xi32, #tpu.memory_space<vmem>> -> memref<1x8x80xi32, #tpu.memory_space<vmem>>
        %dma_start3A_302 = tpu.memref_squeeze %dma_start3A_301 : memref<1x8x80xi32, #tpu.memory_space<vmem>> -> memref<8x80xi32, #tpu.memory_space<vmem>>
        %dma_start3A_303 = arith.constant 0 : i32
        %dma_start3A_304 = tpu.memref_slice %arg4[%arg1, %mul3A_291, %dma_start3A_303] : memref<16x128x80xi32, #tpu.memory_space<hbm>> -> memref<1x8x80xi32, #tpu.memory_space<hbm>>
        %dma_start3A_305 = tpu.memref_squeeze %dma_start3A_304 : memref<1x8x80xi32, #tpu.memory_space<hbm>> -> memref<8x80xi32, #tpu.memory_space<hbm>>
        tpu.enqueue_dma source(%dma_start3A_305 : memref<8x80xi32, #tpu.memory_space<hbm>>) target(%dma_start3A_302 : memref<8x80xi32, #tpu.memory_space<vmem>>) target_semaphore(%arg24 : memref<!tpu.dma_semaphore, #tpu.memory_space<semaphore_mem>>)
      } else {
      }
      %add3A_194 = arith.constant 1 : i32
      %add3A_195 = arith.addi %scan3A_91, %add3A_194 : i32
      %lt3A_196 = arith.constant 16 : i32
      %lt3A_197 = arith.cmpi slt, %add3A_195, %lt3A_196 : i32
      %convert_element_type3A_198 = arith.extui %lt3A_197 : i1 to i32
      %cond3A_199 = arith.constant 0 : i32
      %cond3A_200 = arith.cmpi ne, %convert_element_type3A_198, %cond3A_199 : i32
      scf.if %cond3A_200 {
        %add3A_270 = arith.constant 1 : i32
        %add3A_271 = arith.addi %scan3A_91, %add3A_270 : i32
        %mul3A_272 = arith.constant 8 : i32
        %mul3A_273 = arith.muli %add3A_271, %mul3A_272 : i32
        %dma_wait3A_274 = arith.constant 0 : i32
        %dma_wait3A_275 = arith.constant 0 : i32
        %dma_wait3A_276 = tpu.memref_slice %arg9[%sub3A_93, %dma_wait3A_274, %dma_wait3A_275] : memref<2x8x80xi32, #tpu.memory_space<vmem>> -> memref<1x8x80xi32, #tpu.memory_space<vmem>>
        %dma_wait3A_277 = tpu.memref_squeeze %dma_wait3A_276 : memref<1x8x80xi32, #tpu.memory_space<vmem>> -> memref<8x80xi32, #tpu.memory_space<vmem>>
        %dma_wait3A_278 = arith.constant 0 : i32
        %dma_wait3A_279 = tpu.memref_slice %arg3[%arg0, %arg1, %mul3A_273, %dma_wait3A_278] : memref<2x16x128x80xi32, #tpu.memory_space<hbm>> -> memref<1x1x8x80xi32, #tpu.memory_space<hbm>>
        %dma_wait3A_280 = tpu.memref_squeeze %dma_wait3A_279 : memref<1x1x8x80xi32, #tpu.memory_space<hbm>> -> memref<8x80xi32, #tpu.memory_space<hbm>>
        %dma_wait3A_281 = arith.constant 0 : i32
        %dma_wait3A_282 = arith.constant 0 : i32
        %dma_wait3A_283 = tpu.memref_slice %arg9[%sub3A_93, %dma_wait3A_281, %dma_wait3A_282] : memref<2x8x80xi32, #tpu.memory_space<vmem>> -> memref<1x8x80xi32, #tpu.memory_space<vmem>>
        %dma_wait3A_284 = tpu.memref_squeeze %dma_wait3A_283 : memref<1x8x80xi32, #tpu.memory_space<vmem>> -> memref<8x80xi32, #tpu.memory_space<vmem>>
        %dma_wait3A_285 = arith.constant 0 : i32
        %dma_wait3A_286 = tpu.memref_slice %arg3[%arg0, %arg1, %mul3A_273, %dma_wait3A_285] : memref<2x16x128x80xi32, #tpu.memory_space<hbm>> -> memref<1x1x8x80xi32, #tpu.memory_space<hbm>>
        %dma_wait3A_287 = tpu.memref_squeeze %dma_wait3A_286 : memref<1x1x8x80xi32, #tpu.memory_space<hbm>> -> memref<8x80xi32, #tpu.memory_space<hbm>>
        tpu.wait_dma2 semaphore(%arg24 : memref<!tpu.dma_semaphore, #tpu.memory_space<semaphore_mem>>) src(%dma_wait3A_287 : memref<8x80xi32, #tpu.memory_space<hbm>>) dst(%dma_wait3A_284 : memref<8x80xi32, #tpu.memory_space<vmem>>)
        %add3A_288 = arith.constant 1 : i32
        %add3A_289 = arith.addi %scan3A_91, %add3A_288 : i32
        %mul3A_290 = arith.constant 8 : i32
        %mul3A_291 = arith.muli %add3A_289, %mul3A_290 : i32
        %dma_wait3A_292 = arith.constant 0 : i32
        %dma_wait3A_293 = arith.constant 0 : i32
        %dma_wait3A_294 = tpu.memref_slice %arg10[%sub3A_93, %dma_wait3A_292, %dma_wait3A_293] : memref<2x8x80xi32, #tpu.memory_space<vmem>> -> memref<1x8x80xi32, #tpu.memory_space<vmem>>
        %dma_wait3A_295 = tpu.memref_squeeze %dma_wait3A_294 : memref<1x8x80xi32, #tpu.memory_space<vmem>> -> memref<8x80xi32, #tpu.memory_space<vmem>>
        %dma_wait3A_296 = arith.constant 0 : i32
        %dma_wait3A_297 = tpu.memref_slice %arg4[%arg1, %mul3A_291, %dma_wait3A_296] : memref<16x128x80xi32, #tpu.memory_space<hbm>> -> memref<1x8x80xi32, #tpu.memory_space<hbm>>
        %dma_wait3A_298 = tpu.memref_squeeze %dma_wait3A_297 : memref<1x8x80xi32, #tpu.memory_space<hbm>> -> memref<8x80xi32, #tpu.memory_space<hbm>>
        %dma_wait3A_299 = arith.constant 0 : i32
        %dma_wait3A_300 = arith.constant 0 : i32
        %dma_wait3A_301 = tpu.memref_slice %arg10[%sub3A_93, %dma_wait3A_299, %dma_wait3A_300] : memref<2x8x80xi32, #tpu.memory_space<vmem>> -> memref<1x8x80xi32, #tpu.memory_space<vmem>>
        %dma_wait3A_302 = tpu.memref_squeeze %dma_wait3A_301 : memref<1x8x80xi32, #tpu.memory_space<vmem>> -> memref<8x80xi32, #tpu.memory_space<vmem>>
        %dma_wait3A_303 = arith.constant 0 : i32
        %dma_wait3A_304 = tpu.memref_slice %arg4[%arg1, %mul3A_291, %dma_wait3A_303] : memref<16x128x80xi32, #tpu.memory_space<hbm>> -> memref<1x8x80xi32, #tpu.memory_space<hbm>>
        %dma_wait3A_305 = tpu.memref_squeeze %dma_wait3A_304 : memref<1x8x80xi32, #tpu.memory_space<hbm>> -> memref<8x80xi32, #tpu.memory_space<hbm>>
        tpu.wait_dma2 semaphore(%arg24 : memref<!tpu.dma_semaphore, #tpu.memory_space<semaphore_mem>>) src(%dma_wait3A_305 : memref<8x80xi32, #tpu.memory_space<hbm>>) dst(%dma_wait3A_302 : memref<8x80xi32, #tpu.memory_space<vmem>>)
        %dma_start3A_306 = arith.constant 0 : i32
        %dma_start3A_307 = arith.constant 0 : i32
        %dma_start3A_308 = arith.constant 0 : i32
        %dma_start3A_309 = arith.constant 0 : i32
        %dma_start3A_310 = tpu.memref_slice %arg11[%dma_start3A_307, %dma_start3A_308, %dma_start3A_309] : memref<4x80x128xf32, #tpu.memory_space<vmem>> -> memref<1x80x128xf32, #tpu.memory_space<vmem>>
        %dma_start3A_311 = tpu.memref_squeeze %dma_start3A_310 : memref<1x80x128xf32, #tpu.memory_space<vmem>> -> memref<80x128xf32, #tpu.memory_space<vmem>>
        %dma_start3A_312 = arith.constant 0 : i32
        %dma_start3A_313 = tpu.memref_slice %arg9[%sub3A_93, %dma_start3A_306, %dma_start3A_312] : memref<2x8x80xi32, #tpu.memory_space<vmem>> -> memref<1x1x80xi32, #tpu.memory_space<vmem>>
        %dma_start3A_314 = tpu.memref_squeeze %dma_start3A_313 : memref<1x1x80xi32, #tpu.memory_space<vmem>> -> memref<80xi32, #tpu.memory_space<vmem>>
        %dma_start3A_315 = arith.constant 0 : i32
        %dma_start3A_316 = arith.constant 0 : i32
        %dma_start3A_317 = tpu.memref_slice %arg2[%dma_start3A_315, %dma_start3A_316] : memref<20000x128xf32, #tpu.memory_space<hbm>> -> memref<20000x128xf32, #tpu.memory_space<hbm>>
        tpu.enqueue_indirect_dma source(%dma_start3A_317 : memref<20000x128xf32, #tpu.memory_space<hbm>>) target(%dma_start3A_311 : memref<80x128xf32, #tpu.memory_space<vmem>>) offsets(%dma_start3A_314 : memref<80xi32, #tpu.memory_space<vmem>>) semaphore(%arg15 : memref<!tpu.dma_semaphore, #tpu.memory_space<semaphore_mem>>)
      } else {
      }
      %dma_wait3A_201 = arith.constant 4 : i32
      %dma_wait3A_202 = arith.constant 0 : i32
      %dma_wait3A_203 = arith.constant 0 : i32
      %dma_wait3A_204 = arith.constant 0 : i32
      %dma_wait3A_205 = tpu.memref_slice %arg11[%dma_wait3A_202, %dma_wait3A_203, %dma_wait3A_204] : memref<4x80x128xf32, #tpu.memory_space<vmem>> -> memref<1x80x128xf32, #tpu.memory_space<vmem>>
      %dma_wait3A_206 = tpu.memref_squeeze %dma_wait3A_205 : memref<1x80x128xf32, #tpu.memory_space<vmem>> -> memref<80x128xf32, #tpu.memory_space<vmem>>
      %dma_wait3A_207 = arith.constant 0 : i32
      %dma_wait3A_208 = tpu.memref_slice %arg9[%rem3A_92, %dma_wait3A_201, %dma_wait3A_207] : memref<2x8x80xi32, #tpu.memory_space<vmem>> -> memref<1x1x80xi32, #tpu.memory_space<vmem>>
      %dma_wait3A_209 = tpu.memref_squeeze %dma_wait3A_208 : memref<1x1x80xi32, #tpu.memory_space<vmem>> -> memref<80xi32, #tpu.memory_space<vmem>>
      %dma_wait3A_210 = arith.constant 0 : i32
      %dma_wait3A_211 = arith.constant 0 : i32
      %dma_wait3A_212 = tpu.memref_slice %arg2[%dma_wait3A_210, %dma_wait3A_211] : memref<20000x128xf32, #tpu.memory_space<hbm>> -> memref<20000x128xf32, #tpu.memory_space<hbm>>
      tpu.wait_indirect_dma semaphore(%arg15 : memref<!tpu.dma_semaphore, #tpu.memory_space<semaphore_mem>>) src(%dma_wait3A_212 : memref<20000x128xf32, #tpu.memory_space<hbm>>) dst(%dma_wait3A_206 : memref<80x128xf32, #tpu.memory_space<vmem>>)
      %add3A_213 = arith.constant 1 : i32
      %add3A_214 = arith.addi %scan3A_91, %add3A_213 : i32
      %lt3A_215 = arith.constant 16 : i32
      %lt3A_216 = arith.cmpi slt, %add3A_214, %lt3A_215 : i32
      %convert_element_type3A_217 = arith.extui %lt3A_216 : i1 to i32
      %cond3A_218 = arith.constant 0 : i32
      %cond3A_219 = arith.cmpi ne, %convert_element_type3A_217, %cond3A_218 : i32
      scf.if %cond3A_219 {
        %dma_start3A_270 = arith.constant 1 : i32
        %dma_start3A_271 = arith.constant 1 : i32
        %dma_start3A_272 = arith.constant 0 : i32
        %dma_start3A_273 = arith.constant 0 : i32
        %dma_start3A_274 = tpu.memref_slice %arg11[%dma_start3A_271, %dma_start3A_272, %dma_start3A_273] : memref<4x80x128xf32, #tpu.memory_space<vmem>> -> memref<1x80x128xf32, #tpu.memory_space<vmem>>
        %dma_start3A_275 = tpu.memref_squeeze %dma_start3A_274 : memref<1x80x128xf32, #tpu.memory_space<vmem>> -> memref<80x128xf32, #tpu.memory_space<vmem>>
        %dma_start3A_276 = arith.constant 0 : i32
        %dma_start3A_277 = tpu.memref_slice %arg9[%sub3A_93, %dma_start3A_270, %dma_start3A_276] : memref<2x8x80xi32, #tpu.memory_space<vmem>> -> memref<1x1x80xi32, #tpu.memory_space<vmem>>
        %dma_start3A_278 = tpu.memref_squeeze %dma_start3A_277 : memref<1x1x80xi32, #tpu.memory_space<vmem>> -> memref<80xi32, #tpu.memory_space<vmem>>
        %dma_start3A_279 = arith.constant 0 : i32
        %dma_start3A_280 = arith.constant 0 : i32
        %dma_start3A_281 = tpu.memref_slice %arg2[%dma_start3A_279, %dma_start3A_280] : memref<20000x128xf32, #tpu.memory_space<hbm>> -> memref<20000x128xf32, #tpu.memory_space<hbm>>
        tpu.enqueue_indirect_dma source(%dma_start3A_281 : memref<20000x128xf32, #tpu.memory_space<hbm>>) target(%dma_start3A_275 : memref<80x128xf32, #tpu.memory_space<vmem>>) offsets(%dma_start3A_278 : memref<80xi32, #tpu.memory_space<vmem>>) semaphore(%arg16 : memref<!tpu.dma_semaphore, #tpu.memory_space<semaphore_mem>>)
      } else {
      }
      %dma_wait3A_220 = arith.constant 5 : i32
      %dma_wait3A_221 = arith.constant 1 : i32
      %dma_wait3A_222 = arith.constant 0 : i32
      %dma_wait3A_223 = arith.constant 0 : i32
      %dma_wait3A_224 = tpu.memref_slice %arg11[%dma_wait3A_221, %dma_wait3A_222, %dma_wait3A_223] : memref<4x80x128xf32, #tpu.memory_space<vmem>> -> memref<1x80x128xf32, #tpu.memory_space<vmem>>
      %dma_wait3A_225 = tpu.memref_squeeze %dma_wait3A_224 : memref<1x80x128xf32, #tpu.memory_space<vmem>> -> memref<80x128xf32, #tpu.memory_space<vmem>>
      %dma_wait3A_226 = arith.constant 0 : i32
      %dma_wait3A_227 = tpu.memref_slice %arg9[%rem3A_92, %dma_wait3A_220, %dma_wait3A_226] : memref<2x8x80xi32, #tpu.memory_space<vmem>> -> memref<1x1x80xi32, #tpu.memory_space<vmem>>
      %dma_wait3A_228 = tpu.memref_squeeze %dma_wait3A_227 : memref<1x1x80xi32, #tpu.memory_space<vmem>> -> memref<80xi32, #tpu.memory_space<vmem>>
      %dma_wait3A_229 = arith.constant 0 : i32
      %dma_wait3A_230 = arith.constant 0 : i32
      %dma_wait3A_231 = tpu.memref_slice %arg2[%dma_wait3A_229, %dma_wait3A_230] : memref<20000x128xf32, #tpu.memory_space<hbm>> -> memref<20000x128xf32, #tpu.memory_space<hbm>>
      tpu.wait_indirect_dma semaphore(%arg16 : memref<!tpu.dma_semaphore, #tpu.memory_space<semaphore_mem>>) src(%dma_wait3A_231 : memref<20000x128xf32, #tpu.memory_space<hbm>>) dst(%dma_wait3A_225 : memref<80x128xf32, #tpu.memory_space<vmem>>)
      %add3A_232 = arith.constant 1 : i32
      %add3A_233 = arith.addi %scan3A_91, %add3A_232 : i32
      %lt3A_234 = arith.constant 16 : i32
      %lt3A_235 = arith.cmpi slt, %add3A_233, %lt3A_234 : i32
      %convert_element_type3A_236 = arith.extui %lt3A_235 : i1 to i32
      %cond3A_237 = arith.constant 0 : i32
      %cond3A_238 = arith.cmpi ne, %convert_element_type3A_236, %cond3A_237 : i32
      scf.if %cond3A_238 {
        %dma_start3A_270 = arith.constant 2 : i32
        %dma_start3A_271 = arith.constant 2 : i32
        %dma_start3A_272 = arith.constant 0 : i32
        %dma_start3A_273 = arith.constant 0 : i32
        %dma_start3A_274 = tpu.memref_slice %arg11[%dma_start3A_271, %dma_start3A_272, %dma_start3A_273] : memref<4x80x128xf32, #tpu.memory_space<vmem>> -> memref<1x80x128xf32, #tpu.memory_space<vmem>>
        %dma_start3A_275 = tpu.memref_squeeze %dma_start3A_274 : memref<1x80x128xf32, #tpu.memory_space<vmem>> -> memref<80x128xf32, #tpu.memory_space<vmem>>
        %dma_start3A_276 = arith.constant 0 : i32
        %dma_start3A_277 = tpu.memref_slice %arg9[%sub3A_93, %dma_start3A_270, %dma_start3A_276] : memref<2x8x80xi32, #tpu.memory_space<vmem>> -> memref<1x1x80xi32, #tpu.memory_space<vmem>>
        %dma_start3A_278 = tpu.memref_squeeze %dma_start3A_277 : memref<1x1x80xi32, #tpu.memory_space<vmem>> -> memref<80xi32, #tpu.memory_space<vmem>>
        %dma_start3A_279 = arith.constant 0 : i32
        %dma_start3A_280 = arith.constant 0 : i32
        %dma_start3A_281 = tpu.memref_slice %arg2[%dma_start3A_279, %dma_start3A_280] : memref<20000x128xf32, #tpu.memory_space<hbm>> -> memref<20000x128xf32, #tpu.memory_space<hbm>>
        tpu.enqueue_indirect_dma source(%dma_start3A_281 : memref<20000x128xf32, #tpu.memory_space<hbm>>) target(%dma_start3A_275 : memref<80x128xf32, #tpu.memory_space<vmem>>) offsets(%dma_start3A_278 : memref<80xi32, #tpu.memory_space<vmem>>) semaphore(%arg17 : memref<!tpu.dma_semaphore, #tpu.memory_space<semaphore_mem>>)
      } else {
      }
      %dma_wait3A_239 = arith.constant 6 : i32
      %dma_wait3A_240 = arith.constant 2 : i32
      %dma_wait3A_241 = arith.constant 0 : i32
      %dma_wait3A_242 = arith.constant 0 : i32
      %dma_wait3A_243 = tpu.memref_slice %arg11[%dma_wait3A_240, %dma_wait3A_241, %dma_wait3A_242] : memref<4x80x128xf32, #tpu.memory_space<vmem>> -> memref<1x80x128xf32, #tpu.memory_space<vmem>>
      %dma_wait3A_244 = tpu.memref_squeeze %dma_wait3A_243 : memref<1x80x128xf32, #tpu.memory_space<vmem>> -> memref<80x128xf32, #tpu.memory_space<vmem>>
      %dma_wait3A_245 = arith.constant 0 : i32
      %dma_wait3A_246 = tpu.memref_slice %arg9[%rem3A_92, %dma_wait3A_239, %dma_wait3A_245] : memref<2x8x80xi32, #tpu.memory_space<vmem>> -> memref<1x1x80xi32, #tpu.memory_space<vmem>>
      %dma_wait3A_247 = tpu.memref_squeeze %dma_wait3A_246 : memref<1x1x80xi32, #tpu.memory_space<vmem>> -> memref<80xi32, #tpu.memory_space<vmem>>
      %dma_wait3A_248 = arith.constant 0 : i32
      %dma_wait3A_249 = arith.constant 0 : i32
      %dma_wait3A_250 = tpu.memref_slice %arg2[%dma_wait3A_248, %dma_wait3A_249] : memref<20000x128xf32, #tpu.memory_space<hbm>> -> memref<20000x128xf32, #tpu.memory_space<hbm>>
      tpu.wait_indirect_dma semaphore(%arg17 : memref<!tpu.dma_semaphore, #tpu.memory_space<semaphore_mem>>) src(%dma_wait3A_250 : memref<20000x128xf32, #tpu.memory_space<hbm>>) dst(%dma_wait3A_244 : memref<80x128xf32, #tpu.memory_space<vmem>>)
      %add3A_251 = arith.constant 1 : i32
      %add3A_252 = arith.addi %scan3A_91, %add3A_251 : i32
      %lt3A_253 = arith.constant 16 : i32
      %lt3A_254 = arith.cmpi slt, %add3A_252, %lt3A_253 : i32
      %convert_element_type3A_255 = arith.extui %lt3A_254 : i1 to i32
      %cond3A_256 = arith.constant 0 : i32
      %cond3A_257 = arith.cmpi ne, %convert_element_type3A_255, %cond3A_256 : i32
      scf.if %cond3A_257 {
        %dma_start3A_270 = arith.constant 3 : i32
        %dma_start3A_271 = arith.constant 3 : i32
        %dma_start3A_272 = arith.constant 0 : i32
        %dma_start3A_273 = arith.constant 0 : i32
        %dma_start3A_274 = tpu.memref_slice %arg11[%dma_start3A_271, %dma_start3A_272, %dma_start3A_273] : memref<4x80x128xf32, #tpu.memory_space<vmem>> -> memref<1x80x128xf32, #tpu.memory_space<vmem>>
        %dma_start3A_275 = tpu.memref_squeeze %dma_start3A_274 : memref<1x80x128xf32, #tpu.memory_space<vmem>> -> memref<80x128xf32, #tpu.memory_space<vmem>>
        %dma_start3A_276 = arith.constant 0 : i32
        %dma_start3A_277 = tpu.memref_slice %arg9[%sub3A_93, %dma_start3A_270, %dma_start3A_276] : memref<2x8x80xi32, #tpu.memory_space<vmem>> -> memref<1x1x80xi32, #tpu.memory_space<vmem>>
        %dma_start3A_278 = tpu.memref_squeeze %dma_start3A_277 : memref<1x1x80xi32, #tpu.memory_space<vmem>> -> memref<80xi32, #tpu.memory_space<vmem>>
        %dma_start3A_279 = arith.constant 0 : i32
        %dma_start3A_280 = arith.constant 0 : i32
        %dma_start3A_281 = tpu.memref_slice %arg2[%dma_start3A_279, %dma_start3A_280] : memref<20000x128xf32, #tpu.memory_space<hbm>> -> memref<20000x128xf32, #tpu.memory_space<hbm>>
        tpu.enqueue_indirect_dma source(%dma_start3A_281 : memref<20000x128xf32, #tpu.memory_space<hbm>>) target(%dma_start3A_275 : memref<80x128xf32, #tpu.memory_space<vmem>>) offsets(%dma_start3A_278 : memref<80xi32, #tpu.memory_space<vmem>>) semaphore(%arg18 : memref<!tpu.dma_semaphore, #tpu.memory_space<semaphore_mem>>)
      } else {
      }
      %dma_wait3A_258 = arith.constant 7 : i32
      %dma_wait3A_259 = arith.constant 3 : i32
      %dma_wait3A_260 = arith.constant 0 : i32
      %dma_wait3A_261 = arith.constant 0 : i32
      %dma_wait3A_262 = tpu.memref_slice %arg11[%dma_wait3A_259, %dma_wait3A_260, %dma_wait3A_261] : memref<4x80x128xf32, #tpu.memory_space<vmem>> -> memref<1x80x128xf32, #tpu.memory_space<vmem>>
      %dma_wait3A_263 = tpu.memref_squeeze %dma_wait3A_262 : memref<1x80x128xf32, #tpu.memory_space<vmem>> -> memref<80x128xf32, #tpu.memory_space<vmem>>
      %dma_wait3A_264 = arith.constant 0 : i32
      %dma_wait3A_265 = tpu.memref_slice %arg9[%rem3A_92, %dma_wait3A_258, %dma_wait3A_264] : memref<2x8x80xi32, #tpu.memory_space<vmem>> -> memref<1x1x80xi32, #tpu.memory_space<vmem>>
      %dma_wait3A_266 = tpu.memref_squeeze %dma_wait3A_265 : memref<1x1x80xi32, #tpu.memory_space<vmem>> -> memref<80xi32, #tpu.memory_space<vmem>>
      %dma_wait3A_267 = arith.constant 0 : i32
      %dma_wait3A_268 = arith.constant 0 : i32
      %dma_wait3A_269 = tpu.memref_slice %arg2[%dma_wait3A_267, %dma_wait3A_268] : memref<20000x128xf32, #tpu.memory_space<hbm>> -> memref<20000x128xf32, #tpu.memory_space<hbm>>
      tpu.wait_indirect_dma semaphore(%arg18 : memref<!tpu.dma_semaphore, #tpu.memory_space<semaphore_mem>>) src(%dma_wait3A_269 : memref<20000x128xf32, #tpu.memory_space<hbm>>) dst(%dma_wait3A_263 : memref<80x128xf32, #tpu.memory_space<vmem>>)
    }
    %scan3A_85 = arith.constant 16 : i32
    %barrier3A_86 = arith.constant 0 : index
    tpu.barrier barrier_id(%barrier3A_86)
    "tpu.region"() ({
      %run_scoped3A_91 = tpu.sem_alloc : memref<!tpu.dma_semaphore, #tpu.memory_space<semaphore_mem>>
      %dma_start3A_92 = arith.constant 0 : i32
      %dma_start3A_93 = tpu.memref_slice %arg7[%arg0, %mul3A_0, %dma_start3A_92] : memref<2x10240x128xf32, #tpu.memory_space<hbm>> -> memref<1x640x128xf32, #tpu.memory_space<hbm>>
      %dma_start3A_94 = tpu.memref_squeeze %dma_start3A_93 : memref<1x640x128xf32, #tpu.memory_space<hbm>> -> memref<640x128xf32, #tpu.memory_space<hbm>>
      %dma_start3A_95 = arith.constant 0 : i32
      %dma_start3A_96 = tpu.memref_slice %arg13[%mul3A_0, %dma_start3A_95] : memref<10240x128xf32, #tpu.memory_space<vmem_shared>> -> memref<640x128xf32, #tpu.memory_space<vmem_shared>>
      tpu.enqueue_dma source(%dma_start3A_96 : memref<640x128xf32, #tpu.memory_space<vmem_shared>>) target(%dma_start3A_94 : memref<640x128xf32, #tpu.memory_space<hbm>>) target_semaphore(%run_scoped3A_91 : memref<!tpu.dma_semaphore, #tpu.memory_space<semaphore_mem>>)
      %dma_wait3A = arith.constant 0 : i32
      %dma_wait3A_97 = tpu.memref_slice %arg7[%arg0, %mul3A_0, %dma_wait3A] : memref<2x10240x128xf32, #tpu.memory_space<hbm>> -> memref<1x640x128xf32, #tpu.memory_space<hbm>>
      %dma_wait3A_98 = tpu.memref_squeeze %dma_wait3A_97 : memref<1x640x128xf32, #tpu.memory_space<hbm>> -> memref<640x128xf32, #tpu.memory_space<hbm>>
      %dma_wait3A_99 = arith.constant 0 : i32
      %dma_wait3A_100 = tpu.memref_slice %arg13[%mul3A_0, %dma_wait3A_99] : memref<10240x128xf32, #tpu.memory_space<vmem_shared>> -> memref<640x128xf32, #tpu.memory_space<vmem_shared>>
      tpu.wait_dma2 semaphore(%run_scoped3A_91 : memref<!tpu.dma_semaphore, #tpu.memory_space<semaphore_mem>>) src(%dma_wait3A_100 : memref<640x128xf32, #tpu.memory_space<vmem_shared>>) dst(%dma_wait3A_98 : memref<640x128xf32, #tpu.memory_space<hbm>>)
      tpu.yield
    }) : () -> ()
    %eq3A = arith.constant 0 : i32
    %eq3A_87 = arith.cmpi eq, %arg0, %eq3A : i32
    %eq3A_88 = arith.constant 0 : i32
    %eq3A_89 = arith.cmpi eq, %arg1, %eq3A_88 : i32
    %and3A = arith.andi %eq3A_87, %eq3A_89 : i1
    %convert_element_type3A = arith.extui %and3A : i1 to i32
    %cond3A = arith.constant 0 : i32
    %cond3A_90 = arith.cmpi ne, %convert_element_type3A, %cond3A : i32
    scf.if %cond3A_90 {
      "tpu.region"() ({
        %run_scoped3A_91 = tpu.sem_alloc : memref<!tpu.dma_semaphore, #tpu.memory_space<semaphore_mem>>
        tpu.enqueue_dma source(%arg14 : memref<10240xf32, #tpu.memory_space<vmem_shared>>) target(%arg8 : memref<10240xf32, #tpu.memory_space<hbm>>) target_semaphore(%run_scoped3A_91 : memref<!tpu.dma_semaphore, #tpu.memory_space<semaphore_mem>>)
        tpu.wait_dma2 semaphore(%run_scoped3A_91 : memref<!tpu.dma_semaphore, #tpu.memory_space<semaphore_mem>>) src(%arg14 : memref<10240xf32, #tpu.memory_space<vmem_shared>>) dst(%arg8 : memref<10240xf32, #tpu.memory_space<hbm>>)
        tpu.yield
      }) : () -> ()
    } else {
    }
    return
  }
}

module attributes {stable_mosaic.version = 14 : i64} {
  func.func @body(%arg0: i32, %arg1: memref<1000x256xf32, #tpu.memory_space<vmem>>, %arg2: memref<1x1000x128xf32, #tpu.memory_space<vmem>>, %arg3: memref<1x1000x128xf32, #tpu.memory_space<vmem>>, %arg4: memref<1000x1xf32, #tpu.memory_space<vmem>>, %arg5: memref<256x512xf32, #tpu.memory_space<vmem>>, %arg6: memref<1x512xf32, #tpu.memory_space<vmem>>, %arg7: memref<512x256xf32, #tpu.memory_space<vmem>>, %arg8: memref<1000x256xf32, #tpu.memory_space<vmem>>) attributes {dimension_semantics = [#tpu.dimension_semantics<arbitrary>], iteration_bounds = array<i64: 10>, scalar_prefetch = 0 : i64, scratch_operands = 0 : i64, tpu.core_type = #tpu.core_type<tc>, window_params = [{transform_indices = @transform_0, window_bounds = array<i64: 1000, 256>}, {transform_indices = @transform_1, window_bounds = array<i64: 1, 1000, 128>}, {transform_indices = @transform_2, window_bounds = array<i64: 1, 1000, 128>}, {transform_indices = @transform_3, window_bounds = array<i64: 1000, 1>}, {pipeline_mode = #tpu.pipeline_mode<synchronous>, transform_indices = @transform_4, window_bounds = array<i64: 256, 512>}, {pipeline_mode = #tpu.pipeline_mode<synchronous>, transform_indices = @transform_5, window_bounds = array<i64: 1, 512>}, {pipeline_mode = #tpu.pipeline_mode<synchronous>, transform_indices = @transform_6, window_bounds = array<i64: 512, 256>}, {transform_indices = @transform_7, window_bounds = array<i64: 1000, 256>}]} {
    %get3A = arith.constant 0 : index
    %get3A_0 = arith.constant 0 : index
    %get3A_1 = vector.load %arg4[%get3A, %get3A_0] : memref<1000x1xf32, #tpu.memory_space<vmem>>, vector<1000x1xf32>
    %add3A = arith.constant 1.000000e+00 : f32
    %add3A_2 = vector.broadcast %add3A : f32 to vector<1000x1xf32>
    %add3A_3 = arith.addf %get3A_1, %add3A_2 : vector<1000x1xf32>
    %div3A = arith.constant 1.000000e+00 : f32
    %div3A_4 = vector.broadcast %div3A : f32 to vector<1000x1xf32>
    %div3A_5 = arith.divf %div3A_4, %add3A_3 : vector<1000x1xf32>
    %get3A_6 = arith.constant 0 : index
    %get3A_7 = arith.constant 0 : index
    %get3A_8 = vector.load %arg1[%get3A_6, %get3A_7] : memref<1000x256xf32, #tpu.memory_space<vmem>>, vector<1000x128xf32>
    %get3A_9 = arith.constant 0 : index
    %get3A_10 = arith.constant 0 : index
    %get3A_11 = arith.constant 0 : index
    %get3A_12 = vector.load %arg2[%get3A_9, %get3A_10, %get3A_11] : memref<1x1000x128xf32, #tpu.memory_space<vmem>>, vector<1x1000x128xf32>
    %get3A_13 = vector.shape_cast %get3A_12 : vector<1x1000x128xf32> to vector<1000x128xf32>
    %add3A_14 = arith.addf %get3A_8, %get3A_13 : vector<1000x128xf32>
    %mul3A = vector.broadcast %div3A_5 : vector<1000x1xf32> to vector<1000x128xf32>
    %mul3A_15 = arith.mulf %add3A_14, %mul3A : vector<1000x128xf32>
    %get3A_16 = arith.constant 0 : index
    %get3A_17 = arith.constant 128 : index
    %get3A_18 = vector.load %arg1[%get3A_16, %get3A_17] : memref<1000x256xf32, #tpu.memory_space<vmem>>, vector<1000x128xf32>
    %get3A_19 = arith.constant 0 : index
    %get3A_20 = arith.constant 0 : index
    %get3A_21 = arith.constant 0 : index
    %get3A_22 = vector.load %arg3[%get3A_19, %get3A_20, %get3A_21] : memref<1x1000x128xf32, #tpu.memory_space<vmem>>, vector<1x1000x128xf32>
    %get3A_23 = vector.shape_cast %get3A_22 : vector<1x1000x128xf32> to vector<1000x128xf32>
    %add3A_24 = arith.addf %get3A_18, %get3A_23 : vector<1000x128xf32>
    %mul3A_25 = vector.broadcast %div3A_5 : vector<1000x1xf32> to vector<1000x128xf32>
    %mul3A_26 = arith.mulf %add3A_24, %mul3A_25 : vector<1000x128xf32>
    %concatenate3A = tpu.concatenate %mul3A_15, %mul3A_26 in 1 : vector<1000x128xf32>, vector<1000x128xf32> -> vector<1000x256xf32>
    %get3A_27 = arith.constant 0 : index
    %get3A_28 = arith.constant 0 : index
    %get3A_29 = vector.load %arg5[%get3A_27, %get3A_28] : memref<256x512xf32, #tpu.memory_space<vmem>>, vector<256x512xf32>
    %dot_general3A = arith.constant dense<0.000000e+00> : vector<1000x512xf32>
    %dot_general3A_30 = tpu.matmul %concatenate3A, %get3A_29, %dot_general3A {dimension_numbers = #tpu.dot_dimension_numbers<[1], [0], [0], [1], [0, 0, 1, 1], [], []>, transpose_lhs_hint = false} : vector<1000x256xf32>, vector<256x512xf32>, vector<1000x512xf32> -> vector<1000x512xf32>
    %get3A_31 = arith.constant 0 : index
    %get3A_32 = arith.constant 0 : index
    %get3A_33 = vector.load %arg6[%get3A_31, %get3A_32] : memref<1x512xf32, #tpu.memory_space<vmem>>, vector<1x512xf32>
    %add3A_34 = vector.broadcast %get3A_33 : vector<1x512xf32> to vector<1000x512xf32>
    %add3A_35 = arith.addf %dot_general3A_30, %add3A_34 : vector<1000x512xf32>
    %max3A = arith.constant 0.000000e+00 : f32
    %max3A_36 = vector.broadcast %max3A : f32 to vector<1000x512xf32>
    %max3A_37 = arith.maximumf %add3A_35, %max3A_36 : vector<1000x512xf32>
    %get3A_38 = arith.constant 0 : index
    %get3A_39 = arith.constant 0 : index
    %get3A_40 = vector.load %arg7[%get3A_38, %get3A_39] : memref<512x256xf32, #tpu.memory_space<vmem>>, vector<512x256xf32>
    %dot_general3A_41 = arith.constant dense<0.000000e+00> : vector<1000x256xf32>
    %dot_general3A_42 = tpu.matmul %max3A_37, %get3A_40, %dot_general3A_41 {dimension_numbers = #tpu.dot_dimension_numbers<[1], [0], [0], [1], [0, 0, 1, 1], [], []>, transpose_lhs_hint = false} : vector<1000x512xf32>, vector<512x256xf32>, vector<1000x256xf32> -> vector<1000x256xf32>
    %swap3A = arith.constant 0 : index
    %swap3A_43 = arith.constant 0 : index
    %swap3A_44 = vector.load %arg8[%swap3A, %swap3A_43] : memref<1000x256xf32, #tpu.memory_space<vmem>>, vector<1000x256xf32>
    tpu.vector_store %arg8[%swap3A, %swap3A_43], %dot_general3A_42 {strides = array<i32>} : memref<1000x256xf32, #tpu.memory_space<vmem>>, vector<1000x256xf32>,
    return
  }
  func.func @transform_0(%arg0: i32) -> (i32, i32) {
    %c0_i32 = arith.constant 0 : i32
    %c0_i32_0 = arith.constant 0 : i32
    return %arg0, %c0_i32 : i32, i32
  }
  func.func @transform_1(%arg0: i32) -> (i32, i32, i32) {
    %c0_i32 = arith.constant 0 : i32
    %c0_i32_0 = arith.constant 0 : i32
    %c0_i32_1 = arith.constant 0 : i32
    return %c0_i32, %arg0, %c0_i32_0 : i32, i32, i32
  }
  func.func @transform_2(%arg0: i32) -> (i32, i32, i32) {
    %c1_i32 = arith.constant 1 : i32
    %c0_i32 = arith.constant 0 : i32
    %c0_i32_0 = arith.constant 0 : i32
    return %c1_i32, %arg0, %c0_i32 : i32, i32, i32
  }
  func.func @transform_3(%arg0: i32) -> (i32, i32) {
    %c0_i32 = arith.constant 0 : i32
    %c0_i32_0 = arith.constant 0 : i32
    return %arg0, %c0_i32 : i32, i32
  }
  func.func @transform_4(%arg0: i32) -> (i32, i32) {
    %c0_i32 = arith.constant 0 : i32
    %c0_i32_0 = arith.constant 0 : i32
    %c0_i32_1 = arith.constant 0 : i32
    return %c0_i32, %c0_i32_0 : i32, i32
  }
  func.func @transform_5(%arg0: i32) -> (i32, i32) {
    %c0_i32 = arith.constant 0 : i32
    %c0_i32_0 = arith.constant 0 : i32
    %c0_i32_1 = arith.constant 0 : i32
    return %c0_i32, %c0_i32_0 : i32, i32
  }
  func.func @transform_6(%arg0: i32) -> (i32, i32) {
    %c0_i32 = arith.constant 0 : i32
    %c0_i32_0 = arith.constant 0 : i32
    %c0_i32_1 = arith.constant 0 : i32
    return %c0_i32, %c0_i32_0 : i32, i32
  }
  func.func @transform_7(%arg0: i32) -> (i32, i32) {
    %c0_i32 = arith.constant 0 : i32
    %c0_i32_0 = arith.constant 0 : i32
    return %arg0, %c0_i32 : i32, i32
  }
}

module attributes {stable_mosaic.version = 14 : i64} {
  func.func @body(%arg0: i32, %arg1: memref<1x1000x128xf32, #tpu.memory_space<vmem>>, %arg2: memref<1x1000x128xf32, #tpu.memory_space<vmem>>, %arg3: memref<1000x256xf32, #tpu.memory_space<vmem>>, %arg4: memref<1000x1xf32, #tpu.memory_space<vmem>>, %arg5: memref<1x256xf32, #tpu.memory_space<vmem>>, %arg6: memref<1000x256xf32, #tpu.memory_space<vmem>>) attributes {dimension_semantics = [#tpu.dimension_semantics<arbitrary>], iteration_bounds = array<i64: 10>, scalar_prefetch = 0 : i64, scratch_operands = 0 : i64, tpu.core_type = #tpu.core_type<tc>, window_params = [{transform_indices = @transform_0, window_bounds = array<i64: 1, 1000, 128>}, {transform_indices = @transform_1, window_bounds = array<i64: 1, 1000, 128>}, {transform_indices = @transform_2, window_bounds = array<i64: 1000, 256>}, {transform_indices = @transform_3, window_bounds = array<i64: 1000, 1>}, {pipeline_mode = #tpu.pipeline_mode<synchronous>, transform_indices = @transform_4, window_bounds = array<i64: 1, 256>}, {transform_indices = @transform_5, window_bounds = array<i64: 1000, 256>}]} {
    %get3A = arith.constant 0 : index
    %get3A_0 = arith.constant 0 : index
    %get3A_1 = vector.load %arg4[%get3A, %get3A_0] : memref<1000x1xf32, #tpu.memory_space<vmem>>, vector<1000x1xf32>
    %add3A = arith.constant 1.000000e+00 : f32
    %add3A_2 = vector.broadcast %add3A : f32 to vector<1000x1xf32>
    %add3A_3 = arith.addf %get3A_1, %add3A_2 : vector<1000x1xf32>
    %div3A = arith.constant 1.000000e+00 : f32
    %div3A_4 = vector.broadcast %div3A : f32 to vector<1000x1xf32>
    %div3A_5 = arith.divf %div3A_4, %add3A_3 : vector<1000x1xf32>
    %get3A_6 = arith.constant 0 : index
    %get3A_7 = arith.constant 0 : index
    %get3A_8 = arith.constant 0 : index
    %get3A_9 = vector.load %arg1[%get3A_6, %get3A_7, %get3A_8] : memref<1x1000x128xf32, #tpu.memory_space<vmem>>, vector<1x1000x128xf32>
    %get3A_10 = vector.shape_cast %get3A_9 : vector<1x1000x128xf32> to vector<1000x128xf32>
    %get3A_11 = arith.constant 0 : index
    %get3A_12 = arith.constant 0 : index
    %get3A_13 = arith.constant 0 : index
    %get3A_14 = vector.load %arg2[%get3A_11, %get3A_12, %get3A_13] : memref<1x1000x128xf32, #tpu.memory_space<vmem>>, vector<1x1000x128xf32>
    %get3A_15 = vector.shape_cast %get3A_14 : vector<1x1000x128xf32> to vector<1000x128xf32>
    %concatenate3A = tpu.concatenate %get3A_10, %get3A_15 in 1 : vector<1000x128xf32>, vector<1000x128xf32> -> vector<1000x256xf32>
    %get3A_16 = arith.constant 0 : index
    %get3A_17 = arith.constant 0 : index
    %get3A_18 = vector.load %arg3[%get3A_16, %get3A_17] : memref<1000x256xf32, #tpu.memory_space<vmem>>, vector<1000x256xf32>
    %add3A_19 = arith.addf %get3A_18, %concatenate3A : vector<1000x256xf32>
    %mul3A = vector.broadcast %div3A_5 : vector<1000x1xf32> to vector<1000x256xf32>
    %mul3A_20 = arith.mulf %add3A_19, %mul3A : vector<1000x256xf32>
    %get3A_21 = arith.constant 0 : index
    %get3A_22 = arith.constant 0 : index
    %get3A_23 = vector.load %arg5[%get3A_21, %get3A_22] : memref<1x256xf32, #tpu.memory_space<vmem>>, vector<1x256xf32>
    %add3A_24 = vector.broadcast %get3A_23 : vector<1x256xf32> to vector<1000x256xf32>
    %add3A_25 = arith.addf %mul3A_20, %add3A_24 : vector<1000x256xf32>
    %swap3A = arith.constant 0 : index
    %swap3A_26 = arith.constant 0 : index
    %swap3A_27 = vector.load %arg6[%swap3A, %swap3A_26] : memref<1000x256xf32, #tpu.memory_space<vmem>>, vector<1000x256xf32>
    tpu.vector_store %arg6[%swap3A, %swap3A_26], %add3A_25 {strides = array<i32>} : memref<1000x256xf32, #tpu.memory_space<vmem>>, vector<1000x256xf32>,
    return
  }
  func.func @transform_0(%arg0: i32) -> (i32, i32, i32) {
    %c0_i32 = arith.constant 0 : i32
    %c0_i32_0 = arith.constant 0 : i32
    %c0_i32_1 = arith.constant 0 : i32
    return %c0_i32, %arg0, %c0_i32_0 : i32, i32, i32
  }
  func.func @transform_1(%arg0: i32) -> (i32, i32, i32) {
    %c1_i32 = arith.constant 1 : i32
    %c0_i32 = arith.constant 0 : i32
    %c0_i32_0 = arith.constant 0 : i32
    return %c1_i32, %arg0, %c0_i32 : i32, i32, i32
  }
  func.func @transform_2(%arg0: i32) -> (i32, i32) {
    %c0_i32 = arith.constant 0 : i32
    %c0_i32_0 = arith.constant 0 : i32
    return %arg0, %c0_i32 : i32, i32
  }
  func.func @transform_3(%arg0: i32) -> (i32, i32) {
    %c0_i32 = arith.constant 0 : i32
    %c0_i32_0 = arith.constant 0 : i32
    return %arg0, %c0_i32 : i32, i32
  }
  func.func @transform_4(%arg0: i32) -> (i32, i32) {
    %c0_i32 = arith.constant 0 : i32
    %c0_i32_0 = arith.constant 0 : i32
    %c0_i32_1 = arith.constant 0 : i32
    return %c0_i32, %c0_i32_0 : i32, i32
  }
  func.func @transform_5(%arg0: i32) -> (i32, i32) {
    %c0_i32 = arith.constant 0 : i32
    %c0_i32_0 = arith.constant 0 : i32
    return %arg0, %c0_i32 : i32, i32
  }
}

</mosaic_0001>

<sc_bundles>
// kernel: kernel.6.cloned.1.call-start
scs
__scs_entry_jumppad:
0x0: {  	(pc) =	sbr.rel $0x88, $3  }
0x1: {  	(tag) =	ssettag $0x0;
	lr =	simm.s32 $0x1  }
0x2: {  	[smem:$0x3F9B] =	sst lr;
	_ =	strace $0xD0000000  }
0x3: {  	_ = 	snop  }
0x4: {  	_ = 	snop  }
0x5: {  	_ = 	snop  }
0x6: {  	_ = 	snop  }
0x7: {  	_ = 	snop  }
__scs_overlays_trampoline_lowered:
0x8: {  	[smem:$0x3FAA] =	sst s0  }
0x9: {  	[smem:$0x3FAB] =	sst s1  }
0xa: {  	[smem:$0x3FAC] =	sst s2  }
0xb: {  	[smem:$0x3FAD] =	sst s3  }
0xc: {  	[smem:$0x3FAE] =	sst s4  }
0xd: {  	[smem:$0x3FAF] =	sst s5  }
0xe: {  	[smem:$0x3FB0] =	sst s6  }
0xf: {  	[smem:$0x3FB1] =	sst s7  }
0x10: {  	[smem:$0x3FB2] =	sst s8  }
0x11: {  	[smem:$0x3FB3] =	sst s9;
	s0 =	simm.s32 @!p0 $0x0  }
0x12: {  	s1 =	sld [smem:$0x3F99];
	s0 =	simm.s32 @p0 $0x1  }
0x13: {  	[smem:$0x3FB4] =	sst s0;
	s0 =	simm.s32 @!p1 $0x0  }
0x14: {  	s2 =	sld [smem:$0x3F98];
	s0 =	simm.s32 @p1 $0x1  }
0x15: {  	[smem:$0x3FB5] =	sst s0;
	s0 =	simm.s32 @!p2 $0x0  }
0x16: {  	s3 =	sld [smem:$0x3FDB];
	s0 =	simm.s32 @p2 $0x1  }
0x17: {  	s4 =	simm.s32 $0x1BF5;
	[smem:$0x3FB7] =	sst s0  }
0x18: {  	s0 =	sld [smem:$0x3F9A];
	_ =	swait.ge [sflag:s4], $0x0  }
0x19: {  	s7 =	sld [smem:$0x3F9B]  }
0x1a: {  	s8 =	sadd.s32 $0xFFFFE003, lr  }
0x1b: {  	s9 =	sadd.s32 $0xFFFFFEF7, lr;
	s5 =	simm.s32 $0xFFFFFFFF;
	p2 =	slt.u32 s8, $0xFFFFF086  }
0x1c: {  	p1 =	slt.u32 s9, $0xF7A;
	s5 =	simm.s32 @!p2 $0x0  }
0x1d: {  	s5 =	simm.s32 @p1 $0x1;
	p0 =	seq.s32 s7, s2  }
0x1e: {  	s7 =	smul.u32 @!p0 $0xF7A, s2;
	p2 =	seq.s32 @!p0 s5, $0x0  }
0x1f: {  	s9 =	smul.u32 $0xF7A, s1;
	s8 =	simm.s32 @!p0 $0x1BF5;
	p2 =	por !p2, p0  }
0x20: {  	[sflag:s8] =	ssyncset.s32 @!p0 $0xFFFFF086;
	s6 =	sadd.s32 @!p0 s3, s7;
	s7 =	simm.s32 @!p0 $0x108  }
0x21: {  	s3 =	sadd.s32 s3, s9;
	s6 =	sadd.s32 @!p0 $0x88, s6;
	s7 =	simm.s32 @p2 $0x1082  }
0x22: {  	[simem:s7], [sflag:s8] =	dma.local @!p0 [hbm:s6], $0xF7A  }
0x23: {  	s9 =	sor.u32 $0xD0000000, s2;
	s6 =	simm.s32 $0x108;
	_ =	swait.ge @!p0 [sflag:s8], $0x0  }
0x24: {  	s3 =	sadd.s32 $0x88, s3;
	s6 =	simm.s32 @!p1 $0x1082;
	[sflag:s4] =	ssyncset.s32 $0xFFFFF086  }
0x25: {  	[simem:s6], [sflag:s4] =	dma.local [hbm:s3], $0xF7A  }
0x26: {  	[smem:$0x3F9B] =	sst s1;
	(tag) =	ssettag s2;
	_ =	strace s9  }
0x27: {  	s1 =	sld [smem:$0x3FAB]  }
0x28: {  	s2 =	sld [smem:$0x3FAC]  }
0x29: {  	s4 =	sld [smem:$0x3FAE]  }
0x2a: {  	p0 =	seq.s32 s5, $0x0;
	s5 =	sld [smem:$0x3FAF]  }
0x2b: {  	s6 =	sld [smem:$0x3FB0]  }
0x2c: {  	s7 =	sld [smem:$0x3FB1]  }
0x2d: {  	s3 =	simm.s32 $0x108;
	s8 =	sld [smem:$0x3FB2]  }
0x2e: {  	s3 =	simm.s32 @!p0 $0x1082;
	s9 =	sld [smem:$0x3FB3]  }
0x2f: {  	lr =	sadd.s32 s0, s3;
	s0 =	sld [smem:$0x3FAA]  }
0x30: {  	s3 =	sld [smem:$0x3FAD]  }
0x31: {  	[smem:$0x3FB6] =	sst s10  }
0x32: {  	s10 =	sld [smem:$0x3FB4];
	_ =	sdelay $0x3  }
0x33: {  	p0 =	seq.s32 s10, $0x1;
	s10 =	sld [smem:$0x3FB6];
	_ =	sdelay $0x3  }
0x34: {  	[smem:$0x3FB6] =	sst s10  }
0x35: {  	s10 =	sld [smem:$0x3FB5];
	_ =	sdelay $0x3  }
0x36: {  	p1 =	seq.s32 s10, $0x1;
	s10 =	sld [smem:$0x3FB6];
	_ =	sdelay $0x3  }
0x37: {  	[smem:$0x3FB6] =	sst s10  }
0x38: {  	s10 =	sld [smem:$0x3FB7]  }
0x39: {  	_ = 	snop;
	(pc) =	sbr.ind lr, $3  }
0x3a: {  	_ = 	snop  }
0x3b: {  	_ = 	snop  }
0x3c: {  	p2 =	seq.s32 s10, $0x1;
	s10 =	sld [smem:$0x3FB6]  }
0x3d: {  	_ =	shalt  }
0x3e: {  	_ =	shalt  }
0x3f: {  	_ =	shalt  }
0x40: {  	_ =	shalt  }
0x41: {  	_ =	shalt  }
0x42: {  	_ =	shalt  }
0x43: {  	_ =	shalt  }
0x44: {  	_ =	shalt  }
0x45: {  	_ =	shalt  }
0x46: {  	_ =	shalt  }
0x47: {  	_ =	shalt  }
0x48: {  	_ =	shalt  }
0x49: {  	_ =	shalt  }
0x4a: {  	_ =	shalt  }
0x4b: {  	_ =	shalt  }
0x4c: {  	_ =	shalt  }
0x4d: {  	_ =	shalt  }
0x4e: {  	_ =	shalt  }
0x4f: {  	_ =	shalt  }
0x50: {  	_ =	shalt  }
0x51: {  	_ =	shalt  }
0x52: {  	_ =	shalt  }
0x53: {  	_ =	shalt  }
0x54: {  	_ =	shalt  }
0x55: {  	_ =	shalt  }
0x56: {  	_ =	shalt  }
0x57: {  	_ =	shalt  }
0x58: {  	_ =	shalt  }
0x59: {  	_ =	shalt  }
0x5a: {  	_ =	shalt  }
0x5b: {  	_ =	shalt  }
0x5c: {  	_ =	shalt  }
0x5d: {  	_ =	shalt  }
0x5e: {  	_ =	shalt  }
0x5f: {  	_ =	shalt  }
0x60: {  	_ =	shalt  }
0x61: {  	_ =	shalt  }
0x62: {  	_ =	shalt  }
0x63: {  	_ =	shalt  }
0x64: {  	_ =	shalt  }
0x65: {  	_ =	shalt  }
0x66: {  	_ =	shalt  }
0x67: {  	_ =	shalt  }
0x68: {  	_ =	shalt  }
0x69: {  	_ =	shalt  }
0x6a: {  	_ =	shalt  }
0x6b: {  	_ =	shalt  }
0x6c: {  	_ =	shalt  }
0x6d: {  	_ =	shalt  }
0x6e: {  	_ =	shalt  }
0x6f: {  	_ =	shalt  }
0x70: {  	_ =	shalt  }
0x71: {  	_ =	shalt  }
0x72: {  	_ =	shalt  }
0x73: {  	_ =	shalt  }
0x74: {  	_ =	shalt  }
0x75: {  	_ =	shalt  }
0x76: {  	_ =	shalt  }
0x77: {  	_ =	shalt  }
0x78: {  	_ =	shalt  }
0x79: {  	_ =	shalt  }
0x7a: {  	_ =	shalt  }
0x7b: {  	_ =	shalt  }
0x7c: {  	_ =	shalt  }
0x7d: {  	_ =	shalt  }
0x7e: {  	_ =	shalt  }
0x7f: {  	_ =	shalt  }
0x80: {  	_ =	shalt  }
0x81: {  	_ =	shalt  }
0x82: {  	_ =	shalt  }
0x83: {  	_ =	shalt  }
0x84: {  	_ =	shalt  }
0x85: {  	_ =	shalt  }
0x86: {  	_ =	shalt  }
0x87: {  	_ =	shalt  }
.Lfunc_end0:
.L_simem_size_0:
called_computation_lowered:
.L_overlay_start_0:
0x88: {  	s2 =	sld [smem:$0x3FD9]  }
0x89: {  	s3 =	sld [smem:$0x3FFE];
	_ =	sdelay $0x1  }
0x8a: {  	s1 =	srdreg.scid  }
0x8b: {  	s0 =	sand.u32 $0x1, s1  }
0x8c: {  	s17 =	sshll.u32 s0, $0xA;
	s2 =	sadd.s32 s3, s2  }
0x8d: {  	s2 =	sadd.s32 s2, s17  }
0x8e: {  	[smem:$0x3FC2] =	sst s2  }
0x8f: {  	_ = 	snop  }
0x90: {  	s2 =	sld [smem:$0x3FD0];
	(tm) =	ssettm $0x1  }
0x91: {  	s18 =	sld [smem:$0x3FFB];
	_ =	sdelay $0x3  }
0x92: {  	_ =	strace s18  }
0x93: {  	s3 =	sld [smem:$0x3FFC];
	_ =	sdelay $0x3  }
0x94: {  	_ =	strace s3  }
0x95: {  	s3 =	sld [smem:$0x3FFD];
	_ =	sdelay $0x3  }
0x96: {  	_ =	strace s3  }
0x97: {  	_ =	strace $0x8FFFFFFF  }
0x98: {  	s19 =	sld [smem:$0x3FDB];
	_ =	sdelay $0x1  }
0x99: {  	s4 =	simm.s32 $_scs_section_size  }
0x9a: {  	s5 =	simm.s32 $_size__tile_overlayer_lowered;
	s6 =	simm.s32 $_tile_overlayer_lowered  }
0x9b: {  	s22 =	simm.s32 $0x1BFF;
	s21 =	sshll.u32 s6, $0x1;
	s3 =	sadd.s32 s4, s19  }
0x9c: {  	s7 =	simm.s32 $0x0;
	s20 =	sshll.u32 s5, $0x1;
	s5 =	sadd.s32 s21, s3  }
0x9d: {  	[timem:s7], [sflag:s22] =	dma.local [hbm:s5], s20  }
0x9e: {  	_ =	swait.ge [sflag:s22], s20  }
0x9f: {  	s4 =	ssub.s32 $0x0, s20;
	[sflag:s22] =	ssyncset.done $0x0  }
0xa0: {  	[sflag:s22] =	ssyncadd.s32 s4;
	_ =	sdelay $0x1  }
0xa1: {  	s23 =	simm.s32 $0x1B8B  }
0xa2: {  	_ =	swait.ge [sflag:s23], $0x1  }
0xa3: {  	[sflag:s23] =	ssyncset.done $0x0  }
0xa4: {  	s25 =	simm.s32 $0x1B8E;
	s24 =	sld [smem:$0x3FFE];
	[sflag:s23] =	ssyncadd.s32 $0xFFFFFFFF  }
0xa5: {  	s26 =	simm.s32 $execute0_lowered;
	[smem:$0x3FD2] =	sst s25  }
0xa6: {  	s5 =	sshll.u32 s26, $0x1;
	_ =	strace $0x80000046;
	[dreg:$0x1] =	wrdreg $0xFFFFFFFF  }
0xa7: {  	s28 =	simm.s32 $_size_execute0_lowered;
	s3 =	sadd.s32 s3, s5;
	[dreg:$0x0] =	wrdreg $0x0  }
0xa8: {  	s5 =	sshll.u32 s28, $0x1;
	[dreg:$0x2] =	wrdreg s3  }
0xa9: {  	[dreg:$0x3] =	wrdreg s5  }
0xaa: {  	[dreg:$0x4] =	wrdreg $0xC0  }
0xab: {  	_ =	task [dreg:s7], $0x5FFFF  }
0xac: {  	[dreg:$0x1] =	wrdreg $0xFFFFFFFF  }
0xad: {  	[dreg:$0x0] =	wrdreg $0x60  }
0xae: {  	[dreg:$0x2] =	wrdreg s2  }
0xaf: {  	[dreg:$0x3] =	wrdreg s24  }
0xb0: {  	[dreg:$0x4] =	wrdreg $0xB0800  }
0xb1: {  	[dreg:$0x5] =	wrdreg $0x1F0800  }
0xb2: {  	[dreg:$0x6] =	wrdreg $0x9  }
0xb3: {  	_ =	task.clear_ibuf [dreg:s7], $0x7FFFF;
	_ =	strace $0x90000046  }
0xb4: {  	s29 =	simm.s32 $0x9;
	_ =	strace $0x80000048  }
0xb5: {  	_ =	swait.ge [sflag:s29], $0x1  }
0xb6: {  	[sflag:s29] =	ssyncadd.s32 $0xFFFFFFFF  }
0xb7: {  	_ =	strace $0x90000048  }
0xb8: {  	_ =	sfence  }
0xb9: {  	s30 =	sld [smem:$0x0];
	_ =	sdelay $0x2  }
0xba: {  	s31 =	sshll.u32 s1, $0xD;
	s1 =	sshrl.u32 s1, $0x2  }
0xbb: {  	s3 =	sand.u32 $0x4000, s31;
	s1 =	sadd.s32 s1, s30  }
0xbc: {  	s0 =	sor.u32 s3, s0;
	s1 =	sshll.u32 s1, $0x11  }
0xbd: {  	s0 =	sor.u32 s1, s0  }
0xbe: {  	s0 =	sadd.s32 $0x8F2B, s0  }
0xbf: {  	[sflag:s0] =	ssyncadd.remote.s32 $0x1  }
0xc0: {  	_ =	sfence.sel $0xFFFF  }
0xc1: {  	[dreg:$0x0] =	wrdreg $0xFFFFFFFF;
	(pc) =	sbr.abs _section_cstart, $3  }
0xc2: {  	[dreg:$0x1] =	wrdreg $0xFFFFFFFF  }
0xc3: {  	_ =	task.clear_ibuf [dreg:s7], $0x2FFFF;
	_ =	strace $0x9FFFFFFF  }
0xc4: {  	(tm) =	ssettm $0x7FFFFFFF  }
0xc5: {  	_ =	shalt  }
tec
execute0_lowered:
.L_overlay_start_1:
0x0: {  	(tag) =	ssettag $0x1  }
0x1: {  	s1 =	rddreg [dreg:$0x0]  }
0x2: {  	s0 =	rddreg [dreg:$0x1]  }
0x3: {  	s2 =	rddreg [dreg:$0x2]  }
0x4: {  	s6 =	rddreg [dreg:$0x3];
	s3 =	srdreg.scid  }
0x5: {  	s4 =	simm.s32 $0x0;
	s16 =	stileid.u32;
	s28 =	simm.s32 $0x1  }
0x6: {  	s29 =	simm.s32 $0x2;
	s30 =	simm.s32 $0x3;
	s31 =	simm.s32 $0x4  }
0x7: {  	s3 =	sand.u32 $0x1, s3;
	[smem:$0x7FF] =	sst s4;
	s8 =	smul.u32 $0x14000, s16  }
0x8: {  	s5 =	sshll.u32 s16, $0xB;
	s13 =	sadd.s32 $0x9200, s0;
	s9 =	smul.u32 $0x50000, s16  }
0x9: {  	s18 =	sadd.s32 $0x19400, s0;
	s19 =	sadd.s32 $0x19200, s0;
	s23 =	smul.u32 $0xA00, s16  }
0xa: {  	s10 =	sshll.u32 s16, $0xE;
	s12 =	sshll.u32 s16, $0x6;
	s7 =	smul.u32 $0x140000, s3  }
0xb: {  	_ =	strace $0x80000047;
	s14 =	sadd.s32 s5, s0;
	[dreg:$0x5] =	wrdreg s18  }
0xc: {  	[dreg:$0x6] =	wrdreg s19;
	s20 =	ssub.s32 $0x2, s3;
	s24 =	sshll.u32 s3, $0x12  }
0xd: {  	s3 =	sor.u32 s16, s3;
	s16 =	simm.s32 $0x6;
	s19 =	simm.s32 $0x50  }
0xe: {  	s21 =	sshrl.u32 s20, $0x1;
	s22 =	sshrl.u32 s9, $0x2;
	s9 =	sshrl.u32 s23, $0x2  }
0xf: {  	s15 =	sor.u32 s10, s24;
	s10 =	sadd.s32 $0x1200, s14;
	s14 =	sadd.s32 $0x1280, s14  }
0x10: {  	s24 =	simm.s32 $0x6000;
	p0 =	sne.s32 s3, $0x0;
	s7 =	sadd.s32 s8, s7  }
0x11: {  	s2 =	sadd.s32 s22, s2;
	s8 =	sor.u32 $0x1C06, s12;
	s17 =	sadd.s32 s9, s6  }
0x12: {  	s25 =	sshrl.u32 s15, $0x3;
	s26 =	sor.u32 $0x400, s15;
	s22 =	simm.s32 $0x3800  }
0x13: {  	s7 =	sshrl.u32 s7, $0x3;
	s9 =	sadd.s32 s13, s25;
	s15 =	sshrl.u32 s26, $0x3  }
0x14: {  	s17 =	sshrl.u32 s17, $0x3;
	s26 =	simm.s32 $0x8800;
	s11 =	sadd.s32 s7, s0  }
0x15: {  	s0 =	sadd.s32 $0x1BC00, s0;
	s13 =	sadd.s32 s15, s13;
	s15 =	sshrl.u32 s2, $0x3  }
0x16: {  	[dreg:$0x7] =	wrdreg s0;
	s0 =	ssub.s32 s20, s21;
	s11 =	sadd.s32 $0x1C200, s11  }
0x17: {  	v0 =	vimm.f32 $1.000000000e+00;
	s20 =	simm.s32 $0x1000;
	s12 =	smax.u32 s0, $0x1;
	s0 =	simm.s32 $0x0  }
.LBB2_1:
0x18: {  	s2 =	rddreg [dreg:$0x5]  }
0x19: {  	[spmem:s15], [sflag:s8] =	dma.local [hbm:s2], $0x2800  }
0x1a: {  	_ =	swait.ge [sflag:s16], $0x2800  }
0x1b: {  	[sflag:s16] =	ssyncset.done $0x0  }
0x1c: {  	s3 =	rddreg [dreg:$0x6];
	[sflag:s16] =	ssyncadd.s32 $0xFFFFD800  }
0x1d: {  	[spmem:s17], [sflag:s8] =	dma.local [hbm:s3], $0x50  }
0x1e: {  	_ =	swait.ge [sflag:s16], $0x50  }
0x1f: {  	[sflag:s16] =	ssyncset.done $0x0  }
0x20: {  	[sflag:s16] =	ssyncadd.s32 $0xFFFFFFB0  }
0x21: {  	[tilespmem:$0xB000] =	vst v0  }
0x22: {  	[tilespmem:$0xB010] =	vst v0  }
0x23: {  	[tilespmem:$0xB020] =	vst v0  }
0x24: {  	[tilespmem:$0xB030] =	vst v0  }
0x25: {  	[tilespmem:$0xB040] =	vst v0  }
0x26: {  	[tilespmem:s4], [sflag:$0x6] =	stream.linear.gather [hbm4b:s9+s4], $0x400, $0x38;
	[tilespmem:$0x1F300] =	vst v63  }
0x27: {  	_ =	swait.ge [sflag:s16], $0x400  }
0x28: {  	[sflag:s16] =	ssyncset.done $0x0  }
0x29: {  	s5 =	simm.s32 $0x800;
	[sflag:s16] =	ssyncadd.s32 $0xFFFFFC00  }
0x2a: {  	[tilespmem:s5], [sflag:$0x6] =	stream.linear.gather [hbm4b:s10+s4], $0x400, $0x38;
	[tilespmem:$0x1F300] =	vst v63  }
0x2b: {  	_ =	swait.ge [sflag:s16], $0x400  }
0x2c: {  	[sflag:s16] =	ssyncset.done $0x0  }
0x2d: {  	[sflag:s16] =	ssyncadd.s32 $0xFFFFFC00  }
0x2e: {  	[bflag:$0x0] =	sbarrier.arrive $0xFFFF  }
0x2f: {  	[tilespmem:s20], [sflag:$0x1] =	stream.indirect.gather [hbm4b:s1+s19], $0x80, s4, s19, $0xb8;
	[tilespmem:$0x1F300] =	vst v63  }
0x30: {  	s6 =	simm.s32 $0x80  }
0x31: {  	[tilespmem:s22], [sflag:$0x2] =	stream.indirect.gather [hbm4b:s1+s19], $0x80, s6, s19, $0xb8;
	[tilespmem:$0x1F300] =	vst v63  }
0x32: {  	s7 =	simm.s32 $0x100;
	s2 =	sand.u32 $0x1, s4  }
0x33: {  	[tilespmem:s24], [sflag:$0x3] =	stream.indirect.gather [hbm4b:s1+s19], $0x80, s7, s19, $0xb8;
	[tilespmem:$0x1F300] =	vst v63  }
0x34: {  	s18 =	simm.s32 $0x180;
	s3 =	sshll.u32 s2, $0xA  }
0x35: {  	[tilespmem:s26], [sflag:$0x4] =	stream.indirect.gather [hbm4b:s1+s19], $0x80, s18, s19, $0xb8;
	[tilespmem:$0x1F300] =	vst v63  }
0x36: {  	s18 =	sor.u32 $0x200, s3  }
0x37: {  	[tilespmem:s20], [sflag:$0x1] =	stream.indirect.gather [hbm4b:s1+s19], $0x80, s18, s19, $0xb8;
	[tilespmem:$0x1F300] =	vst v63  }
0x38: {  	_ =	swait.ge [sflag:s28], $0x2800  }
0x39: {  	[sflag:s28] =	ssyncset.done $0x0  }
0x3a: {  	s21 =	sor.u32 $0x280, s3;
	[sflag:s28] =	ssyncadd.s32 $0xFFFFD800  }
0x3b: {  	[tilespmem:s22], [sflag:$0x2] =	stream.indirect.gather [hbm4b:s1+s19], $0x80, s21, s19, $0xb8;
	[tilespmem:$0x1F300] =	vst v63  }
0x3c: {  	_ =	swait.ge [sflag:s29], $0x2800  }
0x3d: {  	[sflag:s29] =	ssyncset.done $0x0  }
0x3e: {  	s23 =	sor.u32 $0x300, s3;
	[sflag:s29] =	ssyncadd.s32 $0xFFFFD800  }
0x3f: {  	[tilespmem:s24], [sflag:$0x3] =	stream.indirect.gather [hbm4b:s1+s19], $0x80, s23, s19, $0xb8;
	[tilespmem:$0x1F300] =	vst v63  }
0x40: {  	_ =	swait.ge [sflag:s30], $0x2800  }
0x41: {  	[sflag:s30] =	ssyncset.done $0x0  }
0x42: {  	s3 =	sor.u32 $0x380, s3;
	[sflag:s30] =	ssyncadd.s32 $0xFFFFD800  }
0x43: {  	[tilespmem:s26], [sflag:$0x4] =	stream.indirect.gather [hbm4b:s1+s19], $0x80, s3, s19, $0xb8;
	[tilespmem:$0x1F300] =	vst v63  }
0x44: {  	_ =	swait.ge [sflag:s31], $0x2800  }
0x45: {  	p1 =	por $0x0, $0x0;
	[sflag:s31] =	ssyncset.done $0x0  }
0x46: {  	s3 =	simm.s32 @p1 $0x1;
	[sflag:s31] =	ssyncadd.s32 $0xFFFFD800  }
0x47: {  	_ =	swait.ge @p1 [sflag:s3], $0x2800  }
0x48: {  	[sflag:s3] =	ssyncset.done @p1 $0x0  }
0x49: {  	[sflag:s3] =	ssyncadd.s32 @p1 $0xFFFFD800;
	s3 =	simm.s32 @p1 $0x2  }
0x4a: {  	_ =	swait.ge @p1 [sflag:s3], $0x2800  }
0x4b: {  	[sflag:s3] =	ssyncset.done @p1 $0x0  }
0x4c: {  	[sflag:s3] =	ssyncadd.s32 @p1 $0xFFFFD800;
	s3 =	simm.s32 @p1 $0x3  }
0x4d: {  	_ =	swait.ge @p1 [sflag:s3], $0x2800  }
0x4e: {  	s2 =	sxor.u32 @!p1 $0x1, s2;
	[sflag:s3] =	ssyncset.done @p1 $0x0  }
0x4f: {  	s2 =	sshll.u32 @!p1 s2, $0xA;
	[sflag:s3] =	ssyncadd.s32 @p1 $0xFFFFD800;
	s3 =	simm.s32 @!p1 $0x0  }
0x50: {  	[tilespmem:s2], [sflag:$0x5] =	stream.linear.gather @!p1 [hbm4b:s13+s3], $0x400, $0x38;
	[tilespmem:$0x1F300] =	vst v63  }
0x51: {  	s18 =	sor.u32 @!p1 $0x800, s2;
	s21 =	simm.s32 @!p1 $0x5  }
0x52: {  	[tilespmem:s18], [sflag:$0x5] =	stream.linear.gather @!p1 [hbm4b:s14+s3], $0x400, $0x38;
	[tilespmem:$0x1F300] =	vst v63  }
0x53: {  	_ =	swait.ge @!p1 [sflag:s21], $0x400  }
0x54: {  	[sflag:s21] =	ssyncset.done @!p1 $0x0  }
0x55: {  	[sflag:s21] =	ssyncadd.s32 @!p1 $0xFFFFFC00  }
0x56: {  	_ =	swait.ge @!p1 [sflag:s21], $0x400  }
0x57: {  	s3 =	simm.s32 @!p1 $0x1;
	[sflag:s21] =	ssyncset.done @!p1 $0x0  }
0x58: {  	s18 =	simm.s32 @!p1 $0x50;
	[sflag:s21] =	ssyncadd.s32 @!p1 $0xFFFFFC00;
	s21 =	simm.s32 @!p1 $0x1000  }
0x59: {  	[tilespmem:s21], [sflag:$0x1] =	stream.indirect.gather @!p1 [hbm4b:s1+s18], $0x80, s2, s18, $0xb8;
	[tilespmem:$0x1F300] =	vst v63  }
0x5a: {  	_ =	swait.ge @!p1 [sflag:s3], $0x2800  }
0x5b: {  	s23 =	simm.s32 @!p1 $0x3800;
	[sflag:s3] =	ssyncset.done @!p1 $0x0  }
0x5c: {  	s21 =	simm.s32 @!p1 $0x2;
	[sflag:s3] =	ssyncadd.s32 @!p1 $0xFFFFD800;
	s3 =	sor.u32 @!p1 $0x80, s2  }
0x5d: {  	[tilespmem:s23], [sflag:$0x2] =	stream.indirect.gather @!p1 [hbm4b:s1+s18], $0x80, s3, s18, $0xb8;
	[tilespmem:$0x1F300] =	vst v63  }
0x5e: {  	_ =	swait.ge @!p1 [sflag:s21], $0x2800  }
0x5f: {  	s3 =	simm.s32 @!p1 $0x3;
	[sflag:s21] =	ssyncset.done @!p1 $0x0  }
0x60: {  	s23 =	simm.s32 @!p1 $0x6000;
	[sflag:s21] =	ssyncadd.s32 @!p1 $0xFFFFD800;
	s21 =	sor.u32 @!p1 $0x100, s2  }
0x61: {  	[tilespmem:s23], [sflag:$0x3] =	stream.indirect.gather @!p1 [hbm4b:s1+s18], $0x80, s21, s18, $0xb8;
	[tilespmem:$0x1F300] =	vst v63  }
0x62: {  	_ =	swait.ge @!p1 [sflag:s3], $0x2800  }
0x63: {  	s25 =	simm.s32 $0x1;
	s2 =	sor.u32 @!p1 $0x180, s2;
	[sflag:s3] =	ssyncset.done @!p1 $0x0  }
0x64: {  	s21 =	sand.u32 $0x1, s25;
	[sflag:s3] =	ssyncadd.s32 @!p1 $0xFFFFD800;
	s3 =	simm.s32 @!p1 $0x8800  }
0x65: {  	[tilespmem:s3], [sflag:$0x4] =	stream.indirect.gather @!p1 [hbm4b:s1+s18], $0x80, s2, s18, $0xb8;
	[tilespmem:$0x1F300] =	vst v63  }
0x66: {  	s25 =	sshll.u32 s21, $0xA;
	s18 =	simm.s32 $0x2  }
0x67: {  	s3 =	sadd.s32 $0x80, s14;
	p1 =	por $0x0, $0x0;
	_ =	swait.ge [sflag:s31], $0x2800  }
0x68: {  	s2 =	sadd.s32 $0x80, s13;
	s23 =	sxor.u32 @!p1 $0x1, s21;
	[sflag:s31] =	ssyncset.done $0x0  }
.LBB2_2:
0x69: {  	s5 =	sor.u32 $0x200, s25  }
0x6a: {  	[sflag:s31] =	ssyncadd.s32 $0xFFFFD800;
	s21 =	smov.u32 s18;
	s18 =	sadd.s32 $0x1, s18  }
0x6b: {  	[tilespmem:s20], [sflag:$0x1] =	stream.indirect.gather [hbm4b:s1+s19], $0x80, s5, s19, $0xb8;
	[tilespmem:$0x1F300] =	vst v63  }
0x6c: {  	p2 =	sne.s32 s18, $0x10;
	_ =	swait.ge [sflag:s28], $0x2800  }
0x6d: {  	[sflag:s28] =	ssyncset.done $0x0  }
0x6e: {  	s5 =	sor.u32 $0x280, s25;
	[sflag:s28] =	ssyncadd.s32 $0xFFFFD800  }
0x6f: {  	[tilespmem:s22], [sflag:$0x2] =	stream.indirect.gather [hbm4b:s1+s19], $0x80, s5, s19, $0xb8;
	[tilespmem:$0x1F300] =	vst v63  }
0x70: {  	_ =	swait.ge [sflag:s29], $0x2800  }
0x71: {  	[sflag:s29] =	ssyncset.done $0x0  }
0x72: {  	s5 =	sor.u32 $0x300, s25;
	[sflag:s29] =	ssyncadd.s32 $0xFFFFD800  }
0x73: {  	[tilespmem:s24], [sflag:$0x3] =	stream.indirect.gather [hbm4b:s1+s19], $0x80, s5, s19, $0xb8;
	[tilespmem:$0x1F300] =	vst v63  }
0x74: {  	_ =	swait.ge [sflag:s30], $0x2800  }
0x75: {  	[sflag:s30] =	ssyncset.done $0x0  }
0x76: {  	s5 =	sor.u32 $0x380, s25;
	[sflag:s30] =	ssyncadd.s32 $0xFFFFD800  }
0x77: {  	[tilespmem:s26], [sflag:$0x4] =	stream.indirect.gather [hbm4b:s1+s19], $0x80, s5, s19, $0xb8;
	[tilespmem:$0x1F300] =	vst v63  }
0x78: {  	_ =	swait.ge [sflag:s31], $0x2800  }
0x79: {  	[sflag:s31] =	ssyncset.done $0x0  }
0x7a: {  	s5 =	simm.s32 @p1 $0x1;
	[sflag:s31] =	ssyncadd.s32 $0xFFFFD800  }
0x7b: {  	_ =	swait.ge @p1 [sflag:s5], $0x2800  }
0x7c: {  	[sflag:s5] =	ssyncset.done @p1 $0x0  }
0x7d: {  	[sflag:s5] =	ssyncadd.s32 @p1 $0xFFFFD800;
	s5 =	simm.s32 @p1 $0x2  }
0x7e: {  	_ =	swait.ge @p1 [sflag:s5], $0x2800  }
0x7f: {  	[sflag:s5] =	ssyncset.done @p1 $0x0  }
0x80: {  	[sflag:s5] =	ssyncadd.s32 @p1 $0xFFFFD800;
	s5 =	simm.s32 @p1 $0x3  }
0x81: {  	_ =	swait.ge @p1 [sflag:s5], $0x2800  }
0x82: {  	[sflag:s5] =	ssyncset.done @p1 $0x0  }
0x83: {  	[sflag:s5] =	ssyncadd.s32 @p1 $0xFFFFD800;
	s5 =	sshll.u32 @!p1 s23, $0xA;
	s23 =	simm.s32 @!p1 $0x0  }
0x84: {  	[tilespmem:s5], [sflag:$0x5] =	stream.linear.gather @!p1 [hbm4b:s2+s23], $0x400, $0x38;
	[tilespmem:$0x1F300] =	vst v63  }
0x85: {  	s6 =	simm.s32 @!p1 $0x5;
	s25 =	sor.u32 @!p1 $0x800, s5  }
0x86: {  	[tilespmem:s25], [sflag:$0x5] =	stream.linear.gather @!p1 [hbm4b:s3+s23], $0x400, $0x38;
	[tilespmem:$0x1F300] =	vst v63  }
0x87: {  	_ =	swait.ge @!p1 [sflag:s6], $0x400  }
0x88: {  	[sflag:s6] =	ssyncset.done @!p1 $0x0  }
0x89: {  	[sflag:s6] =	ssyncadd.s32 @!p1 $0xFFFFFC00  }
0x8a: {  	_ =	swait.ge @!p1 [sflag:s6], $0x400  }
0x8b: {  	s23 =	simm.s32 @!p1 $0x1;
	[sflag:s6] =	ssyncset.done @!p1 $0x0  }
0x8c: {  	s25 =	simm.s32 @!p1 $0x1000;
	[sflag:s6] =	ssyncadd.s32 @!p1 $0xFFFFFC00;
	s6 =	simm.s32 @!p1 $0x50  }
0x8d: {  	[tilespmem:s25], [sflag:$0x1] =	stream.indirect.gather @!p1 [hbm4b:s1+s6], $0x80, s5, s6, $0xb8;
	[tilespmem:$0x1F300] =	vst v63  }
0x8e: {  	_ =	swait.ge @!p1 [sflag:s23], $0x2800  }
0x8f: {  	s25 =	simm.s32 @!p1 $0x2;
	[sflag:s23] =	ssyncset.done @!p1 $0x0  }
0x90: {  	s7 =	simm.s32 @!p1 $0x3800;
	[sflag:s23] =	ssyncadd.s32 @!p1 $0xFFFFD800;
	s23 =	sor.u32 @!p1 $0x80, s5  }
0x91: {  	[tilespmem:s7], [sflag:$0x2] =	stream.indirect.gather @!p1 [hbm4b:s1+s6], $0x80, s23, s6, $0xb8;
	[tilespmem:$0x1F300] =	vst v63  }
0x92: {  	_ =	swait.ge @!p1 [sflag:s25], $0x2800  }
0x93: {  	s7 =	simm.s32 @!p1 $0x3;
	[sflag:s25] =	ssyncset.done @!p1 $0x0  }
0x94: {  	s23 =	sor.u32 @!p1 $0x100, s5;
	[sflag:s25] =	ssyncadd.s32 @!p1 $0xFFFFD800;
	s25 =	simm.s32 @!p1 $0x6000  }
0x95: {  	[tilespmem:s25], [sflag:$0x3] =	stream.indirect.gather @!p1 [hbm4b:s1+s6], $0x80, s23, s6, $0xb8;
	[tilespmem:$0x1F300] =	vst v63  }
0x96: {  	s3 =	sadd.s32 $0x80, s3;
	_ =	swait.ge @!p1 [sflag:s7], $0x2800  }
.Ltmp0:
0x97: {  	s2 =	sadd.s32 $0x80, s2;
	[sflag:s7] =	ssyncset.done @!p1 $0x0;
	(pc) =	sbr.rel @p2 .LBB2_2-.Ltmp0, $4  }
0x98: {  	s5 =	sor.u32 @!p1 $0x180, s5;
	[sflag:s7] =	ssyncadd.s32 @!p1 $0xFFFFD800;
	s7 =	simm.s32 @!p1 $0x8800  }
0x99: {  	[tilespmem:s7], [sflag:$0x4] =	stream.indirect.gather @!p1 [hbm4b:s1+s6], $0x80, s5, s6, $0xb8;
	[tilespmem:$0x1F300] =	vst v63  }
0x9a: {  	s5 =	sand.u32 $0x1, s21;
	p1 =	seq.s32 s21, $0xF;
	_ =	swait.ge [sflag:s31], $0x2800  }
0x9b: {  	s25 =	sshll.u32 s5, $0xA;
	s23 =	sxor.u32 @!p1 $0x1, s5;
	[sflag:s31] =	ssyncset.done $0x0  }
0x9c: {  	s5 =	sor.u32 $0x200, s25;
	[sflag:s31] =	ssyncadd.s32 $0xFFFFD800  }
0x9d: {  	[tilespmem:s20], [sflag:$0x1] =	stream.indirect.gather [hbm4b:s1+s19], $0x80, s5, s19, $0xb8;
	[tilespmem:$0x1F300] =	vst v63  }
0x9e: {  	_ =	swait.ge [sflag:s28], $0x2800  }
0x9f: {  	[sflag:s28] =	ssyncset.done $0x0  }
0xa0: {  	s18 =	sor.u32 $0x280, s25;
	[sflag:s28] =	ssyncadd.s32 $0xFFFFD800  }
0xa1: {  	[tilespmem:s22], [sflag:$0x2] =	stream.indirect.gather [hbm4b:s1+s19], $0x80, s18, s19, $0xb8;
	[tilespmem:$0x1F300] =	vst v63  }
0xa2: {  	_ =	swait.ge [sflag:s29], $0x2800  }
0xa3: {  	[sflag:s29] =	ssyncset.done $0x0  }
0xa4: {  	s21 =	sor.u32 $0x300, s25;
	[sflag:s29] =	ssyncadd.s32 $0xFFFFD800  }
0xa5: {  	[tilespmem:s24], [sflag:$0x3] =	stream.indirect.gather [hbm4b:s1+s19], $0x80, s21, s19, $0xb8;
	[tilespmem:$0x1F300] =	vst v63  }
0xa6: {  	_ =	swait.ge [sflag:s30], $0x2800  }
0xa7: {  	[sflag:s30] =	ssyncset.done $0x0  }
0xa8: {  	s25 =	sor.u32 $0x380, s25;
	[sflag:s30] =	ssyncadd.s32 $0xFFFFD800  }
0xa9: {  	[tilespmem:s26], [sflag:$0x4] =	stream.indirect.gather [hbm4b:s1+s19], $0x80, s25, s19, $0xb8;
	[tilespmem:$0x1F300] =	vst v63  }
0xaa: {  	_ =	swait.ge [sflag:s31], $0x2800  }
0xab: {  	[sflag:s31] =	ssyncset.done $0x0  }
0xac: {  	s5 =	simm.s32 @p1 $0x1;
	[sflag:s31] =	ssyncadd.s32 $0xFFFFD800  }
0xad: {  	_ =	swait.ge @p1 [sflag:s5], $0x2800  }
0xae: {  	[sflag:s5] =	ssyncset.done @p1 $0x0  }
0xaf: {  	[sflag:s5] =	ssyncadd.s32 @p1 $0xFFFFD800;
	s5 =	simm.s32 @p1 $0x2  }
0xb0: {  	_ =	swait.ge @p1 [sflag:s5], $0x2800  }
0xb1: {  	[sflag:s5] =	ssyncset.done @p1 $0x0  }
0xb2: {  	[sflag:s5] =	ssyncadd.s32 @p1 $0xFFFFD800;
	s5 =	simm.s32 @p1 $0x3  }
0xb3: {  	_ =	swait.ge @p1 [sflag:s5], $0x2800  }
0xb4: {  	[sflag:s5] =	ssyncset.done @p1 $0x0  }
0xb5: {  	s6 =	simm.s32 @!p1 $0x0;
	[sflag:s5] =	ssyncadd.s32 @p1 $0xFFFFD800;
	s5 =	sshll.u32 @!p1 s23, $0xA  }
0xb6: {  	[tilespmem:s5], [sflag:$0x5] =	stream.linear.gather @!p1 [hbm4b:s2+s6], $0x400, $0x38;
	[tilespmem:$0x1F300] =	vst v63  }
0xb7: {  	s7 =	simm.s32 @!p1 $0x5;
	s2 =	sor.u32 @!p1 $0x800, s5  }
0xb8: {  	[tilespmem:s2], [sflag:$0x5] =	stream.linear.gather @!p1 [hbm4b:s3+s6], $0x400, $0x38;
	[tilespmem:$0x1F300] =	vst v63  }
0xb9: {  	_ =	swait.ge @!p1 [sflag:s7], $0x400  }
0xba: {  	[sflag:s7] =	ssyncset.done @!p1 $0x0  }
0xbb: {  	[sflag:s7] =	ssyncadd.s32 @!p1 $0xFFFFFC00  }
0xbc: {  	_ =	swait.ge @!p1 [sflag:s7], $0x400  }
0xbd: {  	s2 =	simm.s32 @!p1 $0x1;
	[sflag:s7] =	ssyncset.done @!p1 $0x0  }
0xbe: {  	s3 =	simm.s32 @!p1 $0x50;
	s6 =	simm.s32 @!p1 $0x1000;
	[sflag:s7] =	ssyncadd.s32 @!p1 $0xFFFFFC00  }
0xbf: {  	[tilespmem:s6], [sflag:$0x1] =	stream.indirect.gather @!p1 [hbm4b:s1+s3], $0x80, s5, s3, $0xb8;
	[tilespmem:$0x1F300] =	vst v63  }
0xc0: {  	_ =	swait.ge @!p1 [sflag:s2], $0x2800  }
0xc1: {  	s7 =	simm.s32 @!p1 $0x3800;
	[sflag:s2] =	ssyncset.done @!p1 $0x0  }
0xc2: {  	s6 =	simm.s32 @!p1 $0x2;
	[sflag:s2] =	ssyncadd.s32 @!p1 $0xFFFFD800;
	s2 =	sor.u32 @!p1 $0x80, s5  }
0xc3: {  	[tilespmem:s7], [sflag:$0x2] =	stream.indirect.gather @!p1 [hbm4b:s1+s3], $0x80, s2, s3, $0xb8;
	[tilespmem:$0x1F300] =	vst v63  }
0xc4: {  	_ =	swait.ge @!p1 [sflag:s6], $0x2800  }
0xc5: {  	s2 =	simm.s32 @!p1 $0x3;
	[sflag:s6] =	ssyncset.done @!p1 $0x0  }
0xc6: {  	s7 =	simm.s32 @!p1 $0x6000;
	[sflag:s6] =	ssyncadd.s32 @!p1 $0xFFFFD800;
	s6 =	sor.u32 @!p1 $0x100, s5  }
0xc7: {  	[tilespmem:s7], [sflag:$0x3] =	stream.indirect.gather @!p1 [hbm4b:s1+s3], $0x80, s6, s3, $0xb8;
	[tilespmem:$0x1F300] =	vst v63  }
0xc8: {  	_ =	swait.ge @!p1 [sflag:s2], $0x2800  }
0xc9: {  	[sflag:s2] =	ssyncset.done @!p1 $0x0  }
0xca: {  	[sflag:s2] =	ssyncadd.s32 @!p1 $0xFFFFD800;
	s2 =	sor.u32 @!p1 $0x180, s5;
	s5 =	simm.s32 @!p1 $0x8800  }
0xcb: {  	[tilespmem:s5], [sflag:$0x4] =	stream.indirect.gather @!p1 [hbm4b:s1+s3], $0x80, s2, s3, $0xb8;
	[tilespmem:$0x1F300] =	vst v63  }
0xcc: {  	_ =	swait.ge [sflag:s31], $0x2800  }
0xcd: {  	[sflag:s31] =	ssyncset.done $0x0  }
0xce: {  	[sflag:s31] =	ssyncadd.s32 $0xFFFFD800  }
0xcf: {  	[bflag:$0x0] =	sbarrier.arrive $0xFFFF  }
0xd0: {  	[hbm:s11], [sflag:s8] =	dma.local [spmem:s15], $0x2800  }
0xd1: {  	_ =	swait.ge [sflag:s16], $0x2800  }
0xd2: {  	[sflag:s16] =	ssyncset.done $0x0  }
0xd3: {  	[sflag:s16] =	ssyncadd.s32 $0xFFFFD800  }
0xd4: {  	s0 =	sadd.s32 $0x1, s0;
	s2 =	rddreg [dreg:$0x3]  }
0xd5: {  	p1 =	sne.s32 s0, s12;
	s3 =	rddreg [dreg:$0x7];
	s2 =	sshrl.u32 @!p0 s2, $0x3  }
0xd6: {  	[hbm:s3], [sflag:s8] =	dma.local @!p0 [spmem:s2], $0x500  }
.Ltmp1:
0xd7: {  	_ = 	snop;
	(pc) =	sbr.rel @p1 .LBB2_1-.Ltmp1, $4  }
0xd8: {  	s2 =	simm.s32 @!p0 $0x6  }
0xd9: {  	_ =	swait.ge @!p0 [sflag:s2], $0x500  }
0xda: {  	[sflag:s2] =	ssyncset.done @!p0 $0x0  }
0xdb: {  	[sflag:s2] =	ssyncadd.s32 @!p0 $0xFFFFFB00  }
0xdc: {  	_ =	sfence.sel $0x180000  }
0xdd: {  	[bflag:$0x0] =	sbarrier.arrive $0xFFFF  }
0xde: {  	_ =	strace $0x90000047  }
0xdf: {  	s0 =	stileid.u32;
	[bflag:$0x2] =	sbarrier.arrive $0xFFFF  }
0xe0: {  	p0 =	sne.s32 s0, $0x0;
	s0 =	rddreg [dreg:$0x4]  }
0xe1: {  	s0 =	sadd.s32 @!p0 $0x100000, s0  }
0xe2: {  	[sflag:s0] =	ssyncadd.tile.s32 @!p0 $0x1;
	_ =	shalt  }
.Lfunc_end2:
_tile_overlayer_lowered:
.L_overlay_start_2:
0xe3: {  	(tag) =	ssettag $0x2  }
0xe4: {  	s0 =	rddreg [dreg:$0x0];
	s2 =	stileid.u32  }
0xe5: {  	s1 =	rddreg [dreg:$0x1];
	p0 =	sne.s32 s2, $0x0  }
0xe6: {  	s3 =	rddreg [dreg:$0x2];
	[bflag:$0x3] =	sbarrier.arrive $0xFFFF;
	s2 =	simm.s32 @!p0 $0x1C06  }
0xe7: {  	[timem:s3], [sflag:s2] =	dma.local @!p0 [hbm:s0], s1  }
0xe8: {  	s0 =	simm.s32 @!p0 $0x6  }
0xe9: {  	_ =	swait.ge @!p0 [sflag:s0], s1  }
0xea: {  	s1 =	ssub.s32 @!p0 $0x0, s1;
	[sflag:s0] =	ssyncset.done @!p0 $0x0  }
0xeb: {  	[sflag:s0] =	ssyncadd.s32 @!p0 s1  }
0xec: {  	[bflag:$0x3] =	sbarrier.arrive $0xFFFF  }
0xed: {  	_ =	shalt  }

// kernel: kernel.9.cloned.1.call-start
scs
__scs_entry_jumppad:
0x0: {  	(pc) =	sbr.rel $0x88, $3  }
0x1: {  	(tag) =	ssettag $0x0;
	lr =	simm.s32 $0x1  }
0x2: {  	[smem:$0x3F9B] =	sst lr;
	_ =	strace $0xD0000000  }
0x3: {  	_ = 	snop  }
0x4: {  	_ = 	snop  }
0x5: {  	_ = 	snop  }
0x6: {  	_ = 	snop  }
0x7: {  	_ = 	snop  }
__scs_overlays_trampoline_lowered:
0x8: {  	[smem:$0x3FAA] =	sst s0  }
0x9: {  	[smem:$0x3FAB] =	sst s1  }
0xa: {  	[smem:$0x3FAC] =	sst s2  }
0xb: {  	[smem:$0x3FAD] =	sst s3  }
0xc: {  	[smem:$0x3FAE] =	sst s4  }
0xd: {  	[smem:$0x3FAF] =	sst s5  }
0xe: {  	[smem:$0x3FB0] =	sst s6  }
0xf: {  	[smem:$0x3FB1] =	sst s7  }
0x10: {  	[smem:$0x3FB2] =	sst s8  }
0x11: {  	[smem:$0x3FB3] =	sst s9;
	s0 =	simm.s32 @!p0 $0x0  }
0x12: {  	s1 =	sld [smem:$0x3F99];
	s0 =	simm.s32 @p0 $0x1  }
0x13: {  	[smem:$0x3FB4] =	sst s0;
	s0 =	simm.s32 @!p1 $0x0  }
0x14: {  	s2 =	sld [smem:$0x3F98];
	s0 =	simm.s32 @p1 $0x1  }
0x15: {  	[smem:$0x3FB5] =	sst s0;
	s0 =	simm.s32 @!p2 $0x0  }
0x16: {  	s3 =	sld [smem:$0x3FDB];
	s0 =	simm.s32 @p2 $0x1  }
0x17: {  	s4 =	simm.s32 $0x1BF5;
	[smem:$0x3FB7] =	sst s0  }
0x18: {  	s0 =	sld [smem:$0x3F9A];
	_ =	swait.ge [sflag:s4], $0x0  }
0x19: {  	s7 =	sld [smem:$0x3F9B]  }
0x1a: {  	s8 =	sadd.s32 $0xFFFFE003, lr  }
0x1b: {  	s9 =	sadd.s32 $0xFFFFFEF7, lr;
	s5 =	simm.s32 $0xFFFFFFFF;
	p2 =	slt.u32 s8, $0xFFFFF086  }
0x1c: {  	p1 =	slt.u32 s9, $0xF7A;
	s5 =	simm.s32 @!p2 $0x0  }
0x1d: {  	s5 =	simm.s32 @p1 $0x1;
	p0 =	seq.s32 s7, s2  }
0x1e: {  	s7 =	smul.u32 @!p0 $0xF7A, s2;
	p2 =	seq.s32 @!p0 s5, $0x0  }
0x1f: {  	s9 =	smul.u32 $0xF7A, s1;
	s8 =	simm.s32 @!p0 $0x1BF5;
	p2 =	por !p2, p0  }
0x20: {  	[sflag:s8] =	ssyncset.s32 @!p0 $0xFFFFF086;
	s6 =	sadd.s32 @!p0 s3, s7;
	s7 =	simm.s32 @!p0 $0x108  }
0x21: {  	s3 =	sadd.s32 s3, s9;
	s6 =	sadd.s32 @!p0 $0x88, s6;
	s7 =	simm.s32 @p2 $0x1082  }
0x22: {  	[simem:s7], [sflag:s8] =	dma.local @!p0 [hbm:s6], $0xF7A  }
0x23: {  	s9 =	sor.u32 $0xD0000000, s2;
	s6 =	simm.s32 $0x108;
	_ =	swait.ge @!p0 [sflag:s8], $0x0  }
0x24: {  	s3 =	sadd.s32 $0x88, s3;
	s6 =	simm.s32 @!p1 $0x1082;
	[sflag:s4] =	ssyncset.s32 $0xFFFFF086  }
0x25: {  	[simem:s6], [sflag:s4] =	dma.local [hbm:s3], $0xF7A  }
0x26: {  	[smem:$0x3F9B] =	sst s1;
	(tag) =	ssettag s2;
	_ =	strace s9  }
0x27: {  	s1 =	sld [smem:$0x3FAB]  }
0x28: {  	s2 =	sld [smem:$0x3FAC]  }
0x29: {  	s4 =	sld [smem:$0x3FAE]  }
0x2a: {  	p0 =	seq.s32 s5, $0x0;
	s5 =	sld [smem:$0x3FAF]  }
0x2b: {  	s6 =	sld [smem:$0x3FB0]  }
0x2c: {  	s7 =	sld [smem:$0x3FB1]  }
0x2d: {  	s3 =	simm.s32 $0x108;
	s8 =	sld [smem:$0x3FB2]  }
0x2e: {  	s3 =	simm.s32 @!p0 $0x1082;
	s9 =	sld [smem:$0x3FB3]  }
0x2f: {  	lr =	sadd.s32 s0, s3;
	s0 =	sld [smem:$0x3FAA]  }
0x30: {  	s3 =	sld [smem:$0x3FAD]  }
0x31: {  	[smem:$0x3FB6] =	sst s10  }
0x32: {  	s10 =	sld [smem:$0x3FB4];
	_ =	sdelay $0x3  }
0x33: {  	p0 =	seq.s32 s10, $0x1;
	s10 =	sld [smem:$0x3FB6];
	_ =	sdelay $0x3  }
0x34: {  	[smem:$0x3FB6] =	sst s10  }
0x35: {  	s10 =	sld [smem:$0x3FB5];
	_ =	sdelay $0x3  }
0x36: {  	p1 =	seq.s32 s10, $0x1;
	s10 =	sld [smem:$0x3FB6];
	_ =	sdelay $0x3  }
0x37: {  	[smem:$0x3FB6] =	sst s10  }
0x38: {  	s10 =	sld [smem:$0x3FB7]  }
0x39: {  	_ = 	snop;
	(pc) =	sbr.ind lr, $3  }
0x3a: {  	_ = 	snop  }
0x3b: {  	_ = 	snop  }
0x3c: {  	p2 =	seq.s32 s10, $0x1;
	s10 =	sld [smem:$0x3FB6]  }
0x3d: {  	_ =	shalt  }
0x3e: {  	_ =	shalt  }
0x3f: {  	_ =	shalt  }
0x40: {  	_ =	shalt  }
0x41: {  	_ =	shalt  }
0x42: {  	_ =	shalt  }
0x43: {  	_ =	shalt  }
0x44: {  	_ =	shalt  }
0x45: {  	_ =	shalt  }
0x46: {  	_ =	shalt  }
0x47: {  	_ =	shalt  }
0x48: {  	_ =	shalt  }
0x49: {  	_ =	shalt  }
0x4a: {  	_ =	shalt  }
0x4b: {  	_ =	shalt  }
0x4c: {  	_ =	shalt  }
0x4d: {  	_ =	shalt  }
0x4e: {  	_ =	shalt  }
0x4f: {  	_ =	shalt  }
0x50: {  	_ =	shalt  }
0x51: {  	_ =	shalt  }
0x52: {  	_ =	shalt  }
0x53: {  	_ =	shalt  }
0x54: {  	_ =	shalt  }
0x55: {  	_ =	shalt  }
0x56: {  	_ =	shalt  }
0x57: {  	_ =	shalt  }
0x58: {  	_ =	shalt  }
0x59: {  	_ =	shalt  }
0x5a: {  	_ =	shalt  }
0x5b: {  	_ =	shalt  }
0x5c: {  	_ =	shalt  }
0x5d: {  	_ =	shalt  }
0x5e: {  	_ =	shalt  }
0x5f: {  	_ =	shalt  }
0x60: {  	_ =	shalt  }
0x61: {  	_ =	shalt  }
0x62: {  	_ =	shalt  }
0x63: {  	_ =	shalt  }
0x64: {  	_ =	shalt  }
0x65: {  	_ =	shalt  }
0x66: {  	_ =	shalt  }
0x67: {  	_ =	shalt  }
0x68: {  	_ =	shalt  }
0x69: {  	_ =	shalt  }
0x6a: {  	_ =	shalt  }
0x6b: {  	_ =	shalt  }
0x6c: {  	_ =	shalt  }
0x6d: {  	_ =	shalt  }
0x6e: {  	_ =	shalt  }
0x6f: {  	_ =	shalt  }
0x70: {  	_ =	shalt  }
0x71: {  	_ =	shalt  }
0x72: {  	_ =	shalt  }
0x73: {  	_ =	shalt  }
0x74: {  	_ =	shalt  }
0x75: {  	_ =	shalt  }
0x76: {  	_ =	shalt  }
0x77: {  	_ =	shalt  }
0x78: {  	_ =	shalt  }
0x79: {  	_ =	shalt  }
0x7a: {  	_ =	shalt  }
0x7b: {  	_ =	shalt  }
0x7c: {  	_ =	shalt  }
0x7d: {  	_ =	shalt  }
0x7e: {  	_ =	shalt  }
0x7f: {  	_ =	shalt  }
0x80: {  	_ =	shalt  }
0x81: {  	_ =	shalt  }
0x82: {  	_ =	shalt  }
0x83: {  	_ =	shalt  }
0x84: {  	_ =	shalt  }
0x85: {  	_ =	shalt  }
0x86: {  	_ =	shalt  }
0x87: {  	_ =	shalt  }
.Lfunc_end0:
.L_simem_size_0:
called_computation.1_lowered:
.L_overlay_start_0:
0x88: {  	s2 =	sld [smem:$0x3FD9]  }
0x89: {  	s3 =	sld [smem:$0x3FFE];
	_ =	sdelay $0x1  }
0x8a: {  	s1 =	srdreg.scid  }
0x8b: {  	s0 =	sand.u32 $0x1, s1  }
0x8c: {  	s17 =	sshll.u32 s0, $0xA;
	s2 =	sadd.s32 s3, s2  }
0x8d: {  	s2 =	sadd.s32 s2, s17  }
0x8e: {  	[smem:$0x3FC2] =	sst s2  }
0x8f: {  	_ = 	snop  }
0x90: {  	s2 =	sld [smem:$0x3FD0];
	(tm) =	ssettm $0x1  }
0x91: {  	s18 =	sld [smem:$0x3FFB];
	_ =	sdelay $0x3  }
0x92: {  	_ =	strace s18  }
0x93: {  	s3 =	sld [smem:$0x3FFC];
	_ =	sdelay $0x3  }
0x94: {  	_ =	strace s3  }
0x95: {  	s3 =	sld [smem:$0x3FFD];
	_ =	sdelay $0x3  }
0x96: {  	_ =	strace s3  }
0x97: {  	_ =	strace $0x8FFFFFFF  }
0x98: {  	s19 =	sld [smem:$0x3FDB];
	_ =	sdelay $0x1  }
0x99: {  	s4 =	simm.s32 $_scs_section_size  }
0x9a: {  	s5 =	simm.s32 $_size__tile_overlayer_lowered;
	s6 =	simm.s32 $_tile_overlayer_lowered  }
0x9b: {  	s22 =	simm.s32 $0x1BFF;
	s21 =	sshll.u32 s6, $0x1;
	s3 =	sadd.s32 s4, s19  }
0x9c: {  	s7 =	simm.s32 $0x0;
	s20 =	sshll.u32 s5, $0x1;
	s5 =	sadd.s32 s21, s3  }
0x9d: {  	[timem:s7], [sflag:s22] =	dma.local [hbm:s5], s20  }
0x9e: {  	_ =	swait.ge [sflag:s22], s20  }
0x9f: {  	s4 =	ssub.s32 $0x0, s20;
	[sflag:s22] =	ssyncset.done $0x0  }
0xa0: {  	[sflag:s22] =	ssyncadd.s32 s4;
	_ =	sdelay $0x1  }
0xa1: {  	s23 =	simm.s32 $0x1B8B  }
0xa2: {  	_ =	swait.ge [sflag:s23], $0x1  }
0xa3: {  	[sflag:s23] =	ssyncset.done $0x0  }
0xa4: {  	s25 =	simm.s32 $0x1B8E;
	s24 =	sld [smem:$0x3FFE];
	[sflag:s23] =	ssyncadd.s32 $0xFFFFFFFF  }
0xa5: {  	s26 =	simm.s32 $execute0_lowered;
	[smem:$0x3FD2] =	sst s25  }
0xa6: {  	s5 =	sshll.u32 s26, $0x1;
	_ =	strace $0x80000049;
	[dreg:$0x1] =	wrdreg $0xFFFFFFFF  }
0xa7: {  	s28 =	simm.s32 $_size_execute0_lowered;
	s3 =	sadd.s32 s3, s5;
	[dreg:$0x0] =	wrdreg $0x0  }
0xa8: {  	s5 =	sshll.u32 s28, $0x1;
	[dreg:$0x2] =	wrdreg s3  }
0xa9: {  	[dreg:$0x3] =	wrdreg s5  }
0xaa: {  	[dreg:$0x4] =	wrdreg $0xC0  }
0xab: {  	_ =	task [dreg:s7], $0x5FFFF  }
0xac: {  	[dreg:$0x1] =	wrdreg $0xFFFFFFFF  }
0xad: {  	[dreg:$0x0] =	wrdreg $0x60  }
0xae: {  	[dreg:$0x2] =	wrdreg s2  }
0xaf: {  	[dreg:$0x3] =	wrdreg s24  }
0xb0: {  	[dreg:$0x4] =	wrdreg $0xB0000  }
0xb1: {  	[dreg:$0x5] =	wrdreg $0x9  }
0xb2: {  	_ =	task.clear_ibuf [dreg:s7], $0x6FFFF;
	_ =	strace $0x90000049  }
0xb3: {  	s29 =	simm.s32 $0x9;
	_ =	strace $0x8000004B  }
0xb4: {  	_ =	swait.ge [sflag:s29], $0x1  }
0xb5: {  	[sflag:s29] =	ssyncadd.s32 $0xFFFFFFFF  }
0xb6: {  	_ =	strace $0x9000004B  }
0xb7: {  	_ =	sfence  }
0xb8: {  	s30 =	sld [smem:$0x0];
	_ =	sdelay $0x2  }
0xb9: {  	s31 =	sshll.u32 s1, $0xD;
	s1 =	sshrl.u32 s1, $0x2  }
0xba: {  	s3 =	sand.u32 $0x4000, s31;
	s1 =	sadd.s32 s1, s30  }
0xbb: {  	s0 =	sor.u32 s3, s0;
	s1 =	sshll.u32 s1, $0x11  }
0xbc: {  	s0 =	sor.u32 s1, s0  }
0xbd: {  	s0 =	sadd.s32 $0x8F2B, s0  }
0xbe: {  	[sflag:s0] =	ssyncadd.remote.s32 $0x1  }
0xbf: {  	_ =	sfence.sel $0xFFFF  }
0xc0: {  	[dreg:$0x0] =	wrdreg $0xFFFFFFFF;
	(pc) =	sbr.abs _section_cstart, $3  }
0xc1: {  	[dreg:$0x1] =	wrdreg $0xFFFFFFFF  }
0xc2: {  	_ =	task.clear_ibuf [dreg:s7], $0x2FFFF;
	_ =	strace $0x9FFFFFFF  }
0xc3: {  	(tm) =	ssettm $0x7FFFFFFF  }
tec
execute0_lowered:
.L_overlay_start_1:
0x0: {  	(tag) =	ssettag $0x1  }
0x1: {  	s0 =	rddreg [dreg:$0x0]  }
0x2: {  	s1 =	rddreg [dreg:$0x1];
	s2 =	srdreg.scid  }
0x3: {  	s7 =	rddreg [dreg:$0x2];
	s16 =	stileid.u32  }
0x4: {  	s3 =	simm.s32 $0x0;
	s17 =	simm.s32 $0x50;
	s18 =	simm.s32 $0x1000  }
0x5: {  	s28 =	simm.s32 $0x3;
	s29 =	simm.s32 $0x4;
	s30 =	simm.s32 $0x0  }
0x6: {  	s2 =	sand.u32 $0x1, s2;
	s5 =	smul.u32 $0x14000, s16;
	[smem:$0x7FF] =	sst s3  }
0x7: {  	s6 =	sshll.u32 s16, $0xB;
	s12 =	sadd.s32 $0x9200, s1;
	s21 =	sadd.s32 $0x19400, s1  }
0x8: {  	s22 =	sadd.s32 $0x19200, s1;
	s8 =	smul.u32 $0x50000, s16;
	s14 =	sshll.u32 s16, $0xE  }
0x9: {  	s26 =	sshll.u32 s16, $0x6;
	_ =	strace $0x8000004A;
	[dreg:$0x4] =	wrdreg s21  }
0xa: {  	s4 =	smul.u32 $0x140000, s2;
	s13 =	sadd.s32 s6, s1;
	[dreg:$0x5] =	wrdreg s22  }
0xb: {  	s6 =	sadd.s32 $0x1BC00, s1;
	s23 =	ssub.s32 $0x2, s2;
	s11 =	sshll.u32 s2, $0x12  }
0xc: {  	s2 =	sor.u32 s16, s2;
	s22 =	simm.s32 $0x6000;
	s9 =	sshrl.u32 s23, $0x1  }
0xd: {  	s8 =	sshrl.u32 s8, $0x2;
	s24 =	sor.u32 s14, s11;
	p0 =	sne.s32 s2, $0x0  }
0xe: {  	s4 =	sadd.s32 s5, s4;
	s25 =	sadd.s32 s8, s7;
	s31 =	sshrl.u32 s24, $0x3  }
0xf: {  	s7 =	sor.u32 $0x1C06, s26;
	s11 =	sor.u32 $0x400, s24;
	s24 =	simm.s32 $0x8800  }
0x10: {  	s26 =	simm.s32 $0x2;
	s20 =	sshrl.u32 s4, $0x3;
	s8 =	sadd.s32 s12, s31  }
0x11: {  	s15 =	sshrl.u32 s11, $0x3;
	s14 =	sshrl.u32 s25, $0x3;
	s25 =	simm.s32 $0x1  }
0x12: {  	s10 =	sadd.s32 s20, s1;
	s1 =	ssub.s32 s23, s9;
	s9 =	sadd.s32 $0x1200, s13  }
0x13: {  	s12 =	sadd.s32 s15, s12;
	s13 =	sadd.s32 $0x1280, s13;
	s15 =	simm.s32 $0x6  }
0x14: {  	s20 =	simm.s32 $0x3800;
	s10 =	sadd.s32 $0x1C200, s10;
	s11 =	smax.u32 s1, $0x1  }
.LBB2_1:
0x15: {  	s1 =	rddreg [dreg:$0x4]  }
0x16: {  	[spmem:s14], [sflag:s7] =	dma.local [hbm:s1], $0x2800  }
0x17: {  	_ =	swait.ge [sflag:s15], $0x2800  }
0x18: {  	[sflag:s15] =	ssyncset.done $0x0  }
0x19: {  	[sflag:s15] =	ssyncadd.s32 $0xFFFFD800  }
0x1a: {  	[tilespmem:s3], [sflag:$0x6] =	stream.linear.gather [hbm4b:s8+s3], $0x400, $0x38;
	[tilespmem:$0x1F000] =	vst v63  }
0x1b: {  	_ =	swait.ge [sflag:s15], $0x400  }
0x1c: {  	[sflag:s15] =	ssyncset.done $0x0  }
0x1d: {  	s2 =	simm.s32 $0x800;
	[sflag:s15] =	ssyncadd.s32 $0xFFFFFC00  }
0x1e: {  	[tilespmem:s2], [sflag:$0x6] =	stream.linear.gather [hbm4b:s9+s3], $0x400, $0x38;
	[tilespmem:$0x1F000] =	vst v63  }
0x1f: {  	_ =	swait.ge [sflag:s15], $0x400  }
0x20: {  	[sflag:s15] =	ssyncset.done $0x0  }
0x21: {  	[sflag:s15] =	ssyncadd.s32 $0xFFFFFC00  }
0x22: {  	[bflag:$0x0] =	sbarrier.arrive $0xFFFF  }
0x23: {  	[tilespmem:s18], [sflag:$0x1] =	stream.indirect.gather [hbm4b:s0+s17], $0x80, s3, s17, $0xb8;
	[tilespmem:$0x1F000] =	vst v63  }
0x24: {  	s4 =	simm.s32 $0x80  }
0x25: {  	[tilespmem:s20], [sflag:$0x2] =	stream.indirect.gather [hbm4b:s0+s17], $0x80, s4, s17, $0xb8;
	[tilespmem:$0x1F000] =	vst v63  }
0x26: {  	s5 =	simm.s32 $0x100;
	s1 =	sand.u32 $0x1, s3  }
0x27: {  	[tilespmem:s22], [sflag:$0x3] =	stream.indirect.gather [hbm4b:s0+s17], $0x80, s5, s17, $0xb8;
	[tilespmem:$0x1F000] =	vst v63  }
0x28: {  	s16 =	simm.s32 $0x180;
	s2 =	sshll.u32 s1, $0xA  }
0x29: {  	[tilespmem:s24], [sflag:$0x4] =	stream.indirect.gather [hbm4b:s0+s17], $0x80, s16, s17, $0xb8;
	[tilespmem:$0x1F000] =	vst v63  }
0x2a: {  	s16 =	sor.u32 $0x200, s2  }
0x2b: {  	[tilespmem:s18], [sflag:$0x1] =	stream.indirect.gather [hbm4b:s0+s17], $0x80, s16, s17, $0xb8;
	[tilespmem:$0x1F000] =	vst v63  }
0x2c: {  	_ =	swait.ge [sflag:s25], $0x2800  }
0x2d: {  	[sflag:s25] =	ssyncset.done $0x0  }
0x2e: {  	s19 =	sor.u32 $0x280, s2;
	[sflag:s25] =	ssyncadd.s32 $0xFFFFD800  }
0x2f: {  	[tilespmem:s20], [sflag:$0x2] =	stream.indirect.gather [hbm4b:s0+s17], $0x80, s19, s17, $0xb8;
	[tilespmem:$0x1F000] =	vst v63  }
0x30: {  	_ =	swait.ge [sflag:s26], $0x2800  }
0x31: {  	[sflag:s26] =	ssyncset.done $0x0  }
0x32: {  	s21 =	sor.u32 $0x300, s2;
	[sflag:s26] =	ssyncadd.s32 $0xFFFFD800  }
0x33: {  	[tilespmem:s22], [sflag:$0x3] =	stream.indirect.gather [hbm4b:s0+s17], $0x80, s21, s17, $0xb8;
	[tilespmem:$0x1F000] =	vst v63  }
0x34: {  	_ =	swait.ge [sflag:s28], $0x2800  }
0x35: {  	[sflag:s28] =	ssyncset.done $0x0  }
0x36: {  	s2 =	sor.u32 $0x380, s2;
	[sflag:s28] =	ssyncadd.s32 $0xFFFFD800  }
0x37: {  	[tilespmem:s24], [sflag:$0x4] =	stream.indirect.gather [hbm4b:s0+s17], $0x80, s2, s17, $0xb8;
	[tilespmem:$0x1F000] =	vst v63  }
0x38: {  	_ =	swait.ge [sflag:s29], $0x2800  }
0x39: {  	p1 =	por $0x0, $0x0;
	[sflag:s29] =	ssyncset.done $0x0  }
0x3a: {  	s2 =	simm.s32 @p1 $0x1;
	[sflag:s29] =	ssyncadd.s32 $0xFFFFD800  }
0x3b: {  	_ =	swait.ge @p1 [sflag:s2], $0x2800  }
0x3c: {  	[sflag:s2] =	ssyncset.done @p1 $0x0  }
0x3d: {  	[sflag:s2] =	ssyncadd.s32 @p1 $0xFFFFD800;
	s2 =	simm.s32 @p1 $0x2  }
0x3e: {  	_ =	swait.ge @p1 [sflag:s2], $0x2800  }
0x3f: {  	[sflag:s2] =	ssyncset.done @p1 $0x0  }
0x40: {  	[sflag:s2] =	ssyncadd.s32 @p1 $0xFFFFD800;
	s2 =	simm.s32 @p1 $0x3  }
0x41: {  	_ =	swait.ge @p1 [sflag:s2], $0x2800  }
0x42: {  	s1 =	sxor.u32 @!p1 $0x1, s1;
	[sflag:s2] =	ssyncset.done @p1 $0x0  }
0x43: {  	s1 =	sshll.u32 @!p1 s1, $0xA;
	[sflag:s2] =	ssyncadd.s32 @p1 $0xFFFFD800;
	s2 =	simm.s32 @!p1 $0x0  }
0x44: {  	[tilespmem:s1], [sflag:$0x5] =	stream.linear.gather @!p1 [hbm4b:s12+s2], $0x400, $0x38;
	[tilespmem:$0x1F000] =	vst v63  }
0x45: {  	s16 =	sor.u32 @!p1 $0x800, s1;
	s19 =	simm.s32 @!p1 $0x5  }
0x46: {  	[tilespmem:s16], [sflag:$0x5] =	stream.linear.gather @!p1 [hbm4b:s13+s2], $0x400, $0x38;
	[tilespmem:$0x1F000] =	vst v63  }
0x47: {  	_ =	swait.ge @!p1 [sflag:s19], $0x400  }
0x48: {  	[sflag:s19] =	ssyncset.done @!p1 $0x0  }
0x49: {  	[sflag:s19] =	ssyncadd.s32 @!p1 $0xFFFFFC00  }
0x4a: {  	_ =	swait.ge @!p1 [sflag:s19], $0x400  }
0x4b: {  	s2 =	simm.s32 @!p1 $0x1;
	[sflag:s19] =	ssyncset.done @!p1 $0x0  }
0x4c: {  	s16 =	simm.s32 @!p1 $0x50;
	[sflag:s19] =	ssyncadd.s32 @!p1 $0xFFFFFC00;
	s19 =	simm.s32 @!p1 $0x1000  }
0x4d: {  	[tilespmem:s19], [sflag:$0x1] =	stream.indirect.gather @!p1 [hbm4b:s0+s16], $0x80, s1, s16, $0xb8;
	[tilespmem:$0x1F000] =	vst v63  }
0x4e: {  	_ =	swait.ge @!p1 [sflag:s2], $0x2800  }
0x4f: {  	s21 =	simm.s32 @!p1 $0x3800;
	[sflag:s2] =	ssyncset.done @!p1 $0x0  }
0x50: {  	s19 =	simm.s32 @!p1 $0x2;
	[sflag:s2] =	ssyncadd.s32 @!p1 $0xFFFFD800;
	s2 =	sor.u32 @!p1 $0x80, s1  }
0x51: {  	[tilespmem:s21], [sflag:$0x2] =	stream.indirect.gather @!p1 [hbm4b:s0+s16], $0x80, s2, s16, $0xb8;
	[tilespmem:$0x1F000] =	vst v63  }
0x52: {  	_ =	swait.ge @!p1 [sflag:s19], $0x2800  }
0x53: {  	s2 =	simm.s32 @!p1 $0x3;
	[sflag:s19] =	ssyncset.done @!p1 $0x0  }
0x54: {  	s21 =	simm.s32 @!p1 $0x6000;
	[sflag:s19] =	ssyncadd.s32 @!p1 $0xFFFFD800;
	s19 =	sor.u32 @!p1 $0x100, s1  }
0x55: {  	[tilespmem:s21], [sflag:$0x3] =	stream.indirect.gather @!p1 [hbm4b:s0+s16], $0x80, s19, s16, $0xb8;
	[tilespmem:$0x1F000] =	vst v63  }
0x56: {  	_ =	swait.ge @!p1 [sflag:s2], $0x2800  }
0x57: {  	s23 =	simm.s32 $0x1;
	[sflag:s2] =	ssyncset.done @!p1 $0x0  }
0x58: {  	s1 =	sor.u32 @!p1 $0x180, s1;
	[sflag:s2] =	ssyncadd.s32 @!p1 $0xFFFFD800;
	s2 =	simm.s32 @!p1 $0x8800  }
0x59: {  	[tilespmem:s2], [sflag:$0x4] =	stream.indirect.gather @!p1 [hbm4b:s0+s16], $0x80, s1, s16, $0xb8;
	[tilespmem:$0x1F000] =	vst v63  }
0x5a: {  	s31 =	sadd.s32 $0x80, s13;
	s2 =	simm.s32 $0x2;
	s1 =	sadd.s32 $0x80, s12  }
0x5b: {  	s16 =	sand.u32 $0x1, s23;
	p1 =	por $0x0, $0x0;
	_ =	swait.ge [sflag:s29], $0x2800  }
0x5c: {  	s21 =	sshll.u32 s16, $0xA;
	s19 =	sxor.u32 @!p1 $0x1, s16;
	[sflag:s29] =	ssyncset.done $0x0  }
.LBB2_2:
0x5d: {  	s23 =	sor.u32 $0x200, s21  }
0x5e: {  	[sflag:s29] =	ssyncadd.s32 $0xFFFFD800;
	s16 =	smov.u32 s2;
	s2 =	sadd.s32 $0x1, s2  }
0x5f: {  	[tilespmem:s18], [sflag:$0x1] =	stream.indirect.gather [hbm4b:s0+s17], $0x80, s23, s17, $0xb8;
	[tilespmem:$0x1F000] =	vst v63  }
0x60: {  	p2 =	sne.s32 s2, $0x10;
	_ =	swait.ge [sflag:s25], $0x2800  }
0x61: {  	[sflag:s25] =	ssyncset.done $0x0  }
0x62: {  	s23 =	sor.u32 $0x280, s21;
	[sflag:s25] =	ssyncadd.s32 $0xFFFFD800  }
0x63: {  	[tilespmem:s20], [sflag:$0x2] =	stream.indirect.gather [hbm4b:s0+s17], $0x80, s23, s17, $0xb8;
	[tilespmem:$0x1F000] =	vst v63  }
0x64: {  	_ =	swait.ge [sflag:s26], $0x2800  }
0x65: {  	[sflag:s26] =	ssyncset.done $0x0  }
0x66: {  	s23 =	sor.u32 $0x300, s21;
	[sflag:s26] =	ssyncadd.s32 $0xFFFFD800  }
0x67: {  	[tilespmem:s22], [sflag:$0x3] =	stream.indirect.gather [hbm4b:s0+s17], $0x80, s23, s17, $0xb8;
	[tilespmem:$0x1F000] =	vst v63  }
0x68: {  	_ =	swait.ge [sflag:s28], $0x2800  }
0x69: {  	[sflag:s28] =	ssyncset.done $0x0  }
0x6a: {  	s21 =	sor.u32 $0x380, s21;
	[sflag:s28] =	ssyncadd.s32 $0xFFFFD800  }
0x6b: {  	[tilespmem:s24], [sflag:$0x4] =	stream.indirect.gather [hbm4b:s0+s17], $0x80, s21, s17, $0xb8;
	[tilespmem:$0x1F000] =	vst v63  }
0x6c: {  	_ =	swait.ge [sflag:s29], $0x2800  }
0x6d: {  	[sflag:s29] =	ssyncset.done $0x0  }
0x6e: {  	s21 =	simm.s32 @p1 $0x1;
	[sflag:s29] =	ssyncadd.s32 $0xFFFFD800  }
0x6f: {  	_ =	swait.ge @p1 [sflag:s21], $0x2800  }
0x70: {  	[sflag:s21] =	ssyncset.done @p1 $0x0  }
0x71: {  	[sflag:s21] =	ssyncadd.s32 @p1 $0xFFFFD800;
	s21 =	simm.s32 @p1 $0x2  }
0x72: {  	_ =	swait.ge @p1 [sflag:s21], $0x2800  }
0x73: {  	[sflag:s21] =	ssyncset.done @p1 $0x0  }
0x74: {  	[sflag:s21] =	ssyncadd.s32 @p1 $0xFFFFD800;
	s21 =	simm.s32 @p1 $0x3  }
0x75: {  	_ =	swait.ge @p1 [sflag:s21], $0x2800  }
0x76: {  	[sflag:s21] =	ssyncset.done @p1 $0x0  }
0x77: {  	s19 =	sshll.u32 @!p1 s19, $0xA;
	[sflag:s21] =	ssyncadd.s32 @p1 $0xFFFFD800;
	s21 =	simm.s32 @!p1 $0x0  }
0x78: {  	[tilespmem:s19], [sflag:$0x5] =	stream.linear.gather @!p1 [hbm4b:s1+s21], $0x400, $0x38;
	[tilespmem:$0x1F000] =	vst v63  }
0x79: {  	s4 =	simm.s32 @!p1 $0x5;
	s23 =	sor.u32 @!p1 $0x800, s19  }
0x7a: {  	[tilespmem:s23], [sflag:$0x5] =	stream.linear.gather @!p1 [hbm4b:s31+s21], $0x400, $0x38;
	[tilespmem:$0x1F000] =	vst v63  }
0x7b: {  	_ =	swait.ge @!p1 [sflag:s4], $0x400  }
0x7c: {  	[sflag:s4] =	ssyncset.done @!p1 $0x0  }
0x7d: {  	[sflag:s4] =	ssyncadd.s32 @!p1 $0xFFFFFC00  }
0x7e: {  	_ =	swait.ge @!p1 [sflag:s4], $0x400  }
0x7f: {  	s21 =	simm.s32 @!p1 $0x1;
	[sflag:s4] =	ssyncset.done @!p1 $0x0  }
0x80: {  	s23 =	simm.s32 @!p1 $0x1000;
	[sflag:s4] =	ssyncadd.s32 @!p1 $0xFFFFFC00;
	s4 =	simm.s32 @!p1 $0x50  }
0x81: {  	[tilespmem:s23], [sflag:$0x1] =	stream.indirect.gather @!p1 [hbm4b:s0+s4], $0x80, s19, s4, $0xb8;
	[tilespmem:$0x1F000] =	vst v63  }
0x82: {  	_ =	swait.ge @!p1 [sflag:s21], $0x2800  }
0x83: {  	s23 =	simm.s32 @!p1 $0x2;
	[sflag:s21] =	ssyncset.done @!p1 $0x0  }
0x84: {  	s5 =	simm.s32 @!p1 $0x3800;
	[sflag:s21] =	ssyncadd.s32 @!p1 $0xFFFFD800;
	s21 =	sor.u32 @!p1 $0x80, s19  }
0x85: {  	[tilespmem:s5], [sflag:$0x2] =	stream.indirect.gather @!p1 [hbm4b:s0+s4], $0x80, s21, s4, $0xb8;
	[tilespmem:$0x1F000] =	vst v63  }
0x86: {  	_ =	swait.ge @!p1 [sflag:s23], $0x2800  }
0x87: {  	s5 =	simm.s32 @!p1 $0x3;
	[sflag:s23] =	ssyncset.done @!p1 $0x0  }
0x88: {  	s21 =	sor.u32 @!p1 $0x100, s19;
	[sflag:s23] =	ssyncadd.s32 @!p1 $0xFFFFD800;
	s23 =	simm.s32 @!p1 $0x6000  }
0x89: {  	[tilespmem:s23], [sflag:$0x3] =	stream.indirect.gather @!p1 [hbm4b:s0+s4], $0x80, s21, s4, $0xb8;
	[tilespmem:$0x1F000] =	vst v63  }
0x8a: {  	s31 =	sadd.s32 $0x80, s31;
	_ =	swait.ge @!p1 [sflag:s5], $0x2800  }
.Ltmp0:
0x8b: {  	s1 =	sadd.s32 $0x80, s1;
	[sflag:s5] =	ssyncset.done @!p1 $0x0;
	(pc) =	sbr.rel @p2 .LBB2_2-.Ltmp0, $4  }
0x8c: {  	[sflag:s5] =	ssyncadd.s32 @!p1 $0xFFFFD800;
	s5 =	sor.u32 @!p1 $0x180, s19;
	s19 =	simm.s32 @!p1 $0x8800  }
0x8d: {  	[tilespmem:s19], [sflag:$0x4] =	stream.indirect.gather @!p1 [hbm4b:s0+s4], $0x80, s5, s4, $0xb8;
	[tilespmem:$0x1F000] =	vst v63  }
0x8e: {  	s4 =	sand.u32 $0x1, s16;
	p1 =	seq.s32 s16, $0xF;
	_ =	swait.ge [sflag:s29], $0x2800  }
0x8f: {  	s21 =	sshll.u32 s4, $0xA;
	s19 =	sxor.u32 @!p1 $0x1, s4;
	[sflag:s29] =	ssyncset.done $0x0  }
0x90: {  	s2 =	sor.u32 $0x200, s21;
	[sflag:s29] =	ssyncadd.s32 $0xFFFFD800  }
0x91: {  	[tilespmem:s18], [sflag:$0x1] =	stream.indirect.gather [hbm4b:s0+s17], $0x80, s2, s17, $0xb8;
	[tilespmem:$0x1F000] =	vst v63  }
0x92: {  	_ =	swait.ge [sflag:s25], $0x2800  }
0x93: {  	[sflag:s25] =	ssyncset.done $0x0  }
0x94: {  	s5 =	sor.u32 $0x280, s21;
	[sflag:s25] =	ssyncadd.s32 $0xFFFFD800  }
0x95: {  	[tilespmem:s20], [sflag:$0x2] =	stream.indirect.gather [hbm4b:s0+s17], $0x80, s5, s17, $0xb8;
	[tilespmem:$0x1F000] =	vst v63  }
0x96: {  	_ =	swait.ge [sflag:s26], $0x2800  }
0x97: {  	[sflag:s26] =	ssyncset.done $0x0  }
0x98: {  	s16 =	sor.u32 $0x300, s21;
	[sflag:s26] =	ssyncadd.s32 $0xFFFFD800  }
0x99: {  	[tilespmem:s22], [sflag:$0x3] =	stream.indirect.gather [hbm4b:s0+s17], $0x80, s16, s17, $0xb8;
	[tilespmem:$0x1F000] =	vst v63  }
0x9a: {  	_ =	swait.ge [sflag:s28], $0x2800  }
0x9b: {  	[sflag:s28] =	ssyncset.done $0x0  }
0x9c: {  	s23 =	sor.u32 $0x380, s21;
	[sflag:s28] =	ssyncadd.s32 $0xFFFFD800  }
0x9d: {  	[tilespmem:s24], [sflag:$0x4] =	stream.indirect.gather [hbm4b:s0+s17], $0x80, s23, s17, $0xb8;
	[tilespmem:$0x1F000] =	vst v63  }
0x9e: {  	_ =	swait.ge [sflag:s29], $0x2800  }
0x9f: {  	[sflag:s29] =	ssyncset.done $0x0  }
0xa0: {  	s2 =	simm.s32 @p1 $0x1;
	[sflag:s29] =	ssyncadd.s32 $0xFFFFD800  }
0xa1: {  	_ =	swait.ge @p1 [sflag:s2], $0x2800  }
0xa2: {  	[sflag:s2] =	ssyncset.done @p1 $0x0  }
0xa3: {  	[sflag:s2] =	ssyncadd.s32 @p1 $0xFFFFD800;
	s2 =	simm.s32 @p1 $0x2  }
0xa4: {  	_ =	swait.ge @p1 [sflag:s2], $0x2800  }
0xa5: {  	[sflag:s2] =	ssyncset.done @p1 $0x0  }
0xa6: {  	[sflag:s2] =	ssyncadd.s32 @p1 $0xFFFFD800;
	s2 =	simm.s32 @p1 $0x3  }
0xa7: {  	_ =	swait.ge @p1 [sflag:s2], $0x2800  }
0xa8: {  	[sflag:s2] =	ssyncset.done @p1 $0x0  }
0xa9: {  	s4 =	simm.s32 @!p1 $0x0;
	[sflag:s2] =	ssyncadd.s32 @p1 $0xFFFFD800;
	s2 =	sshll.u32 @!p1 s19, $0xA  }
0xaa: {  	[tilespmem:s2], [sflag:$0x5] =	stream.linear.gather @!p1 [hbm4b:s1+s4], $0x400, $0x38;
	[tilespmem:$0x1F000] =	vst v63  }
0xab: {  	s5 =	simm.s32 @!p1 $0x5;
	s1 =	sor.u32 @!p1 $0x800, s2  }
0xac: {  	[tilespmem:s1], [sflag:$0x5] =	stream.linear.gather @!p1 [hbm4b:s31+s4], $0x400, $0x38;
	[tilespmem:$0x1F000] =	vst v63  }
0xad: {  	_ =	swait.ge @!p1 [sflag:s5], $0x400  }
0xae: {  	[sflag:s5] =	ssyncset.done @!p1 $0x0  }
0xaf: {  	[sflag:s5] =	ssyncadd.s32 @!p1 $0xFFFFFC00  }
0xb0: {  	_ =	swait.ge @!p1 [sflag:s5], $0x400  }
0xb1: {  	s1 =	simm.s32 @!p1 $0x1;
	[sflag:s5] =	ssyncset.done @!p1 $0x0  }
0xb2: {  	s4 =	simm.s32 @!p1 $0x50;
	[sflag:s5] =	ssyncadd.s32 @!p1 $0xFFFFFC00;
	s5 =	simm.s32 @!p1 $0x1000  }
0xb3: {  	[tilespmem:s5], [sflag:$0x1] =	stream.indirect.gather @!p1 [hbm4b:s0+s4], $0x80, s2, s4, $0xb8;
	[tilespmem:$0x1F000] =	vst v63  }
0xb4: {  	_ =	swait.ge @!p1 [sflag:s1], $0x2800  }
0xb5: {  	s16 =	simm.s32 @!p1 $0x3800;
	[sflag:s1] =	ssyncset.done @!p1 $0x0  }
0xb6: {  	s5 =	simm.s32 @!p1 $0x2;
	[sflag:s1] =	ssyncadd.s32 @!p1 $0xFFFFD800;
	s1 =	sor.u32 @!p1 $0x80, s2  }
0xb7: {  	[tilespmem:s16], [sflag:$0x2] =	stream.indirect.gather @!p1 [hbm4b:s0+s4], $0x80, s1, s4, $0xb8;
	[tilespmem:$0x1F000] =	vst v63  }
0xb8: {  	_ =	swait.ge @!p1 [sflag:s5], $0x2800  }
0xb9: {  	s1 =	simm.s32 @!p1 $0x3;
	[sflag:s5] =	ssyncset.done @!p1 $0x0  }
0xba: {  	s16 =	simm.s32 @!p1 $0x6000;
	[sflag:s5] =	ssyncadd.s32 @!p1 $0xFFFFD800;
	s5 =	sor.u32 @!p1 $0x100, s2  }
0xbb: {  	[tilespmem:s16], [sflag:$0x3] =	stream.indirect.gather @!p1 [hbm4b:s0+s4], $0x80, s5, s4, $0xb8;
	[tilespmem:$0x1F000] =	vst v63  }
0xbc: {  	_ =	swait.ge @!p1 [sflag:s1], $0x2800  }
0xbd: {  	[sflag:s1] =	ssyncset.done @!p1 $0x0  }
0xbe: {  	[sflag:s1] =	ssyncadd.s32 @!p1 $0xFFFFD800;
	s1 =	sor.u32 @!p1 $0x180, s2;
	s2 =	simm.s32 @!p1 $0x8800  }
0xbf: {  	[tilespmem:s2], [sflag:$0x4] =	stream.indirect.gather @!p1 [hbm4b:s0+s4], $0x80, s1, s4, $0xb8;
	[tilespmem:$0x1F000] =	vst v63  }
0xc0: {  	_ =	swait.ge [sflag:s29], $0x2800  }
0xc1: {  	[sflag:s29] =	ssyncset.done $0x0  }
0xc2: {  	[sflag:s29] =	ssyncadd.s32 $0xFFFFD800  }
0xc3: {  	[bflag:$0x0] =	sbarrier.arrive $0xFFFF  }
0xc4: {  	[hbm:s10], [sflag:s7] =	dma.local [spmem:s14], $0x2800  }
0xc5: {  	_ =	swait.ge [sflag:s15], $0x2800  }
0xc6: {  	s30 =	sadd.s32 $0x1, s30;
	[sflag:s15] =	ssyncset.done $0x0  }
0xc7: {  	p1 =	sne.s32 s30, s11;
	s1 =	rddreg [dreg:$0x5];
	[sflag:s15] =	ssyncadd.s32 $0xFFFFD800  }
0xc8: {  	[hbm:s6], [sflag:s7] =	dma.local @!p0 [hbm:s1], $0x50  }
.Ltmp1:
0xc9: {  	_ = 	snop;
	(pc) =	sbr.rel @p1 .LBB2_1-.Ltmp1, $4  }
0xca: {  	s1 =	simm.s32 @!p0 $0x6  }
0xcb: {  	_ =	swait.ge @!p0 [sflag:s1], $0x50  }
0xcc: {  	[sflag:s1] =	ssyncset.done @!p0 $0x0  }
0xcd: {  	[sflag:s1] =	ssyncadd.s32 @!p0 $0xFFFFFFB0  }
0xce: {  	_ =	sfence.sel $0x180000  }
0xcf: {  	[bflag:$0x0] =	sbarrier.arrive $0xFFFF  }
0xd0: {  	_ =	strace $0x9000004A  }
0xd1: {  	s0 =	stileid.u32;
	[bflag:$0x2] =	sbarrier.arrive $0xFFFF  }
0xd2: {  	p0 =	sne.s32 s0, $0x0;
	s0 =	rddreg [dreg:$0x3]  }
0xd3: {  	s0 =	sadd.s32 @!p0 $0x100000, s0  }
0xd4: {  	[sflag:s0] =	ssyncadd.tile.s32 @!p0 $0x1;
	_ =	shalt  }
.Lfunc_end2:
_tile_overlayer_lowered:
.L_overlay_start_2:
0xd5: {  	(tag) =	ssettag $0x2  }
0xd6: {  	s0 =	rddreg [dreg:$0x0];
	s2 =	stileid.u32  }
0xd7: {  	s1 =	rddreg [dreg:$0x1];
	p0 =	sne.s32 s2, $0x0  }
0xd8: {  	s3 =	rddreg [dreg:$0x2];
	[bflag:$0x3] =	sbarrier.arrive $0xFFFF;
	s2 =	simm.s32 @!p0 $0x1C06  }
0xd9: {  	[timem:s3], [sflag:s2] =	dma.local @!p0 [hbm:s0], s1  }
0xda: {  	s0 =	simm.s32 @!p0 $0x6  }
0xdb: {  	_ =	swait.ge @!p0 [sflag:s0], s1  }
0xdc: {  	s1 =	ssub.s32 @!p0 $0x0, s1;
	[sflag:s0] =	ssyncset.done @!p0 $0x0  }
0xdd: {  	[sflag:s0] =	ssyncadd.s32 @!p0 s1  }
0xde: {  	[bflag:$0x3] =	sbarrier.arrive $0xFFFF  }
0xdf: {  	_ =	shalt  }

</sc_bundles>
